<compile_context>
chip_gen: v7x
topology: tpu7x:2x2x1
jax: 0.10.2.dev20260603
libtpu: 0.0.44.dev20260713+nightly
codegen_flags: <defaults>
</compile_context>

<pallas_src>
import functools

import jax
import jax.numpy as jnp
from jax import lax
from jax.experimental import pallas as pl
from jax.experimental.pallas import tpu as pltpu
from jax.experimental.pallas import tpu_sc as plsc

_INFO = plsc.get_sparse_core_info()
_NC = _INFO.num_cores
_NS = _INFO.num_subcores
_NW = _NC * _NS
_L = _INFO.num_lanes


def _tc_relayout(mean_t, V, D):
    cols = 32768
    gout = cols // 4
    grid = (V + cols - 1) // cols

    def body(in_ref, out_ref):
        y = jnp.transpose(in_ref[...])
        for s in range(4):
            out_ref[:, s * D:(s + 1) * D] = y[s * gout:(s + 1) * gout, :]

    return pl.pallas_call(
        body,
        grid=(grid,),
        in_specs=[pl.BlockSpec((D, cols), lambda i: (0, i))],
        out_specs=pl.BlockSpec((gout, 128), lambda i: (i, 0)),
        out_shape=jax.ShapeDtypeStruct((grid * gout, 128), jnp.float32),
    )(mean_t)


def _sc_gather(indices, table, B, D):
    b_per_w = B // _NW
    o_per_w = b_per_w * D // 128

    mesh = plsc.VectorSubcoreMesh(core_axis_name="c", subcore_axis_name="s")

    @functools.partial(
        pl.kernel,
        mesh=mesh,
        out_type=jax.ShapeDtypeStruct((B * D // 128, 128), jnp.float32),
        scratch_types=[
            pltpu.VMEM((b_per_w,), jnp.int32),
            pltpu.VMEM((b_per_w,), jnp.int32),
            pltpu.VMEM((b_per_w, 128), jnp.float32),
            pltpu.VMEM((o_per_w, 128), jnp.float32),
            pltpu.SemaphoreType.DMA,
        ],
        compiler_params=pltpu.CompilerParams(needs_layout_passes=False),
    )
    def gather_kernel(idx_hbm, table_hbm, out_hbm,
                      idx_v, grp_v, rows_v, out_v, sem):
        wid = lax.axis_index("s") * _NC + lax.axis_index("c")
        base = wid * b_per_w

        pltpu.sync_copy(idx_hbm.at[pl.ds(base, b_per_w)], idx_v)

        def grp_body(i, _):
            ivec = idx_v[pl.ds(i * _L, _L)]
            grp_v[pl.ds(i * _L, _L)] = lax.shift_left(
                lax.shift_right_logical(ivec, 15), 13) + (ivec & 8191)
            return _
        lax.fori_loop(0, b_per_w // _L, grp_body, None)

        pltpu.async_copy(table_hbm.at[grp_v], rows_v, sem).wait()

        lanes = lax.iota(jnp.int32, _L)

        def sel_body(blk, _):
            b0 = blk * _L
            bvec = b0 + lanes
            ivec = idx_v[pl.ds(b0, _L)]
            src0 = lax.shift_left(
                lax.shift_right_logical(ivec, 13) & 3, 5)
            dst0 = lax.shift_left(bvec, 5)
            for j in range(D):
                val = plsc.load_gather(rows_v, [bvec, src0 + j])
                flat = dst0 + j
                plsc.store_scatter(
                    out_v,
                    [lax.shift_right_logical(flat, 7), flat & 127],
                    val,
                )
            return _
        lax.fori_loop(0, b_per_w // _L, sel_body, None, unroll=4)

        pltpu.sync_copy(out_v, out_hbm.at[pl.ds(wid * o_per_w, o_per_w)])

    return gather_kernel(indices, table)


def kernel(indices, mean, logstd):
    del logstd
    V, D = mean.shape
    B, = indices.shape
    table = _tc_relayout(mean.T, V, D)
    out = _sc_gather(indices.astype(jnp.int32), table, B, D)
    return out.reshape(B, D)

# --- scband reference (transcript-rebuilt; emitter-appended) ---
"""Pipeline reference for scband-bayesian-coefficient-30777735643688 (READ-ONLY COPY).

The authoritative reference and input builder live on the scoring server;
editing this copy changes nothing except your own understanding.
"""

import jax, jax.numpy as jnp
import numpy as np

NUM_CLASSES = 1000000
DIM = 32
BATCH = 16384

def setup_inputs(seed: int = 0) -> dict:
    key = jax.random.key(seed)
    k_idx, k_mean, k_logstd = jax.random.split(key, 3)
    indices = jax.random.randint(k_idx, (BATCH,), 0, NUM_CLASSES, dtype=jnp.int64 if jax.config.jax_enable_x64 else jnp.int32)
    # Variational distribution parameters of BayesianCoefficient.
    # torch init: mean = zeros, logstd = ones; use small random mean so output is nontrivial.
    mean = jax.random.normal(k_mean, (NUM_CLASSES, DIM), dtype=jnp.float32) * 0.1
    logstd = jnp.ones((NUM_CLASSES, DIM), dtype=jnp.float32)
    return {"indices": indices, "mean": mean, "logstd": logstd}

def reference(indices, mean, logstd):
    # BayesianCoefficient deterministic forward: gather the variational posterior
    # mean of the coefficient for each class index (embedding lookup on the
    # variational mean table). logstd parameter is carried but unused in the
    # deterministic path.
    coef = jnp.take(mean, indices, axis=0)  # (BATCH, DIM)
    return coef

if __name__ == "__main__":
    import jax
    _d = setup_inputs()
    print(jax.jit(kernel)(*tuple(_d.values())))

</pallas_src>

<mosaic_0001>
#map = affine_map<(d0, d1) -> (0)>
#map1 = affine_map<(d0, d1) -> (0, 0)>
module attributes {stable_mosaic.version = 14 : i64} {
  func.func @gather_kernel(%arg0: i32, %arg1: i32, %arg2: memref<16384xi32, #tpu.memory_space<hbm>>, %arg3: memref<253952x128xf32, #tpu.memory_space<hbm>>, %arg4: memref<4096x128xf32, #tpu.memory_space<hbm>>, %arg5: memref<512xi32, #tpu.memory_space<vmem>>, %arg6: memref<512xi32, #tpu.memory_space<vmem>>, %arg7: memref<512x128xf32, #tpu.memory_space<vmem>>, %arg8: memref<128x128xf32, #tpu.memory_space<vmem>>, %arg9: memref<!tpu.dma_semaphore, #tpu.memory_space<semaphore_mem>>) attributes {dimension_semantics = [#tpu.dimension_semantics<core_parallel>, #tpu.dimension_semantics<subcore_parallel>], iteration_bounds = array<i64: 2, 16>, scalar_prefetch = 0 : i64, scratch_operands = 5 : i64, tpu.core_type = #tpu.core_type<sc_vector_subcore>, window_params = [{transform_indices = #map}, {transform_indices = #map1}, {transform_indices = #map1}]} {
    %mul3A = arith.constant 2 : i32
    %mul3A_0 = arith.muli %arg1, %mul3A : i32
    %add3A = arith.addi %mul3A_0, %arg0 : i32
    %mul3A_1 = arith.constant 512 : i32
    %mul3A_2 = arith.muli %add3A, %mul3A_1 : i32
    "tpu.region"() ({
      %run_scoped3A = tpu.sem_alloc : memref<!tpu.dma_semaphore, #tpu.memory_space<semaphore_mem>>
      %dma_start3A_18 = tpu.memref_slice %arg2[%mul3A_2] : memref<16384xi32, #tpu.memory_space<hbm>> -> memref<512xi32, #tpu.memory_space<hbm>>
      %dma_start3A_19 = tpu.memref_slice %arg2[%mul3A_2] : memref<16384xi32, #tpu.memory_space<hbm>> -> memref<512xi32, #tpu.memory_space<hbm>>
      tpu.enqueue_dma source(%dma_start3A_19 : memref<512xi32, #tpu.memory_space<hbm>>) target(%arg5 : memref<512xi32, #tpu.memory_space<vmem>>) target_semaphore(%run_scoped3A : memref<!tpu.dma_semaphore, #tpu.memory_space<semaphore_mem>>)
      %dma_wait3A_20 = tpu.memref_slice %arg2[%mul3A_2] : memref<16384xi32, #tpu.memory_space<hbm>> -> memref<512xi32, #tpu.memory_space<hbm>>
      %dma_wait3A_21 = tpu.memref_slice %arg2[%mul3A_2] : memref<16384xi32, #tpu.memory_space<hbm>> -> memref<512xi32, #tpu.memory_space<hbm>>
      tpu.wait_dma2 semaphore(%run_scoped3A : memref<!tpu.dma_semaphore, #tpu.memory_space<semaphore_mem>>) src(%dma_wait3A_21 : memref<512xi32, #tpu.memory_space<hbm>>) dst(%arg5 : memref<512xi32, #tpu.memory_space<vmem>>)
      tpu.yield
    }) : () -> ()
    %scan3A = arith.constant 0 : i32
    %scan3A_3 = arith.constant 32 : i32
    %scan3A_4 = arith.addi %scan3A, %scan3A_3 : i32
    %scan3A_5 = arith.constant 1 : i32
    scf.for %scan3A_18 = %scan3A to %scan3A_4 step %scan3A_5  : i32 {
      %mul3A_19 = arith.constant 16 : i32
      %mul3A_20 = arith.muli %scan3A_18, %mul3A_19 : i32
      %get3A = arith.index_cast %mul3A_20 : i32 to index
      %get3A_21 = tpu.vector_load %arg5[%get3A] {strides = array<i32>} : memref<512xi32, #tpu.memory_space<vmem>>, vector<16xi32>,
      %shift_right_logical3A = arith.constant 15 : i32
      %shift_right_logical3A_22 = vector.broadcast %shift_right_logical3A : i32 to vector<16xi32>
      %shift_right_logical3A_23 = arith.shrui %get3A_21, %shift_right_logical3A_22 : vector<16xi32>
      %shift_left3A = arith.constant 13 : i32
      %shift_left3A_24 = vector.broadcast %shift_left3A : i32 to vector<16xi32>
      %shift_left3A_25 = arith.shli %shift_right_logical3A_23, %shift_left3A_24 : vector<16xi32>
      %and3A = arith.constant 8191 : i32
      %and3A_26 = vector.broadcast %and3A : i32 to vector<16xi32>
      %and3A_27 = arith.andi %get3A_21, %and3A_26 : vector<16xi32>
      %add3A_28 = arith.addi %shift_left3A_25, %and3A_27 : vector<16xi32>
      %mul3A_29 = arith.constant 16 : i32
      %mul3A_30 = arith.muli %scan3A_18, %mul3A_29 : i32
      %swap3A = arith.index_cast %mul3A_30 : i32 to index
      %swap3A_31 = tpu.vector_load %arg6[%swap3A] {strides = array<i32>} : memref<512xi32, #tpu.memory_space<vmem>>, vector<16xi32>,
      tpu.vector_store %arg6[%swap3A], %add3A_28 {strides = array<i32>} : memref<512xi32, #tpu.memory_space<vmem>>, vector<16xi32>,
    }
    %scan3A_6 = arith.constant 32 : i32
    %dma_start3A = arith.constant 0 : i32
    %dma_start3A_7 = arith.constant 0 : i32
    %dma_start3A_8 = tpu.memref_slice %arg3[%dma_start3A, %dma_start3A_7] : memref<253952x128xf32, #tpu.memory_space<hbm>> -> memref<253952x128xf32, #tpu.memory_space<hbm>>
    tpu.enqueue_indirect_dma source(%dma_start3A_8 : memref<253952x128xf32, #tpu.memory_space<hbm>>) target(%arg7 : memref<512x128xf32, #tpu.memory_space<vmem>>) offsets(%arg6 : memref<512xi32, #tpu.memory_space<vmem>>) semaphore(%arg9 : memref<!tpu.dma_semaphore, #tpu.memory_space<semaphore_mem>>)
    %dma_wait3A = arith.constant 0 : i32
    %dma_wait3A_9 = arith.constant 0 : i32
    %dma_wait3A_10 = tpu.memref_slice %arg3[%dma_wait3A, %dma_wait3A_9] : memref<253952x128xf32, #tpu.memory_space<hbm>> -> memref<253952x128xf32, #tpu.memory_space<hbm>>
    tpu.wait_indirect_dma semaphore(%arg9 : memref<!tpu.dma_semaphore, #tpu.memory_space<semaphore_mem>>) src(%dma_wait3A_10 : memref<253952x128xf32, #tpu.memory_space<hbm>>) dst(%arg7 : memref<512x128xf32, #tpu.memory_space<vmem>>)
    %iota3A = tpu.iota {dimensions = array<i32: 0>} : vector<16xi32>
    %scan3A_11 = arith.constant 0 : i32
    %scan3A_12 = arith.constant 32 : i32
    %scan3A_13 = arith.addi %scan3A_11, %scan3A_12 : i32
    %scan3A_14 = arith.constant 4 : i32
    scf.for %scan3A_18 = %scan3A_11 to %scan3A_13 step %scan3A_14  : i32 {
      %mul3A_19 = arith.constant 16 : i32
      %mul3A_20 = arith.muli %scan3A_18, %mul3A_19 : i32
      %add3A_21 = vector.broadcast %mul3A_20 : i32 to vector<16xi32>
      %add3A_22 = arith.addi %add3A_21, %iota3A : vector<16xi32>
      %get3A = arith.index_cast %mul3A_20 : i32 to index
      %get3A_23 = tpu.vector_load %arg5[%get3A] {strides = array<i32>} : memref<512xi32, #tpu.memory_space<vmem>>, vector<16xi32>,
      %shift_right_logical3A = arith.constant 13 : i32
      %shift_right_logical3A_24 = vector.broadcast %shift_right_logical3A : i32 to vector<16xi32>
      %shift_right_logical3A_25 = arith.shrui %get3A_23, %shift_right_logical3A_24 : vector<16xi32>
      %and3A = arith.constant 3 : i32
      %and3A_26 = vector.broadcast %and3A : i32 to vector<16xi32>
      %and3A_27 = arith.andi %shift_right_logical3A_25, %and3A_26 : vector<16xi32>
      %shift_left3A = arith.constant 5 : i32
      %shift_left3A_28 = vector.broadcast %shift_left3A : i32 to vector<16xi32>
      %shift_left3A_29 = arith.shli %and3A_27, %shift_left3A_28 : vector<16xi32>
      %shift_left3A_30 = arith.constant 5 : i32
      %shift_left3A_31 = vector.broadcast %shift_left3A_30 : i32 to vector<16xi32>
      %shift_left3A_32 = arith.shli %add3A_22, %shift_left3A_31 : vector<16xi32>
      %add3A_33 = arith.constant 0 : i32
      %add3A_34 = vector.broadcast %add3A_33 : i32 to vector<16xi32>
      %add3A_35 = arith.addi %shift_left3A_29, %add3A_34 : vector<16xi32>
      %gather3A = tpu.vector_load_idx %arg7[%add3A_22, %add3A_35] : memref<512x128xf32, #tpu.memory_space<vmem>>[vector<16xi32>, vector<16xi32>], vector<16xf32>,
      %add3A_36 = arith.constant 0 : i32
      %add3A_37 = vector.broadcast %add3A_36 : i32 to vector<16xi32>
      %add3A_38 = arith.addi %shift_left3A_32, %add3A_37 : vector<16xi32>
      %shift_right_logical3A_39 = arith.constant 7 : i32
      %shift_right_logical3A_40 = vector.broadcast %shift_right_logical3A_39 : i32 to vector<16xi32>
      %shift_right_logical3A_41 = arith.shrui %add3A_38, %shift_right_logical3A_40 : vector<16xi32>
      %and3A_42 = arith.constant 127 : i32
      %and3A_43 = vector.broadcast %and3A_42 : i32 to vector<16xi32>
      %and3A_44 = arith.andi %add3A_38, %and3A_43 : vector<16xi32>
      tpu.vector_store_idx %arg8[%shift_right_logical3A_41, %and3A_44], %gather3A : memref<128x128xf32, #tpu.memory_space<vmem>>[vector<16xi32>, vector<16xi32>], vector<16xf32>,
      %add3A_45 = arith.constant 1 : i32
      %add3A_46 = vector.broadcast %add3A_45 : i32 to vector<16xi32>
      %add3A_47 = arith.addi %shift_left3A_29, %add3A_46 : vector<16xi32>
      %gather3A_48 = tpu.vector_load_idx %arg7[%add3A_22, %add3A_47] : memref<512x128xf32, #tpu.memory_space<vmem>>[vector<16xi32>, vector<16xi32>], vector<16xf32>,
      %add3A_49 = arith.constant 1 : i32
      %add3A_50 = vector.broadcast %add3A_49 : i32 to vector<16xi32>
      %add3A_51 = arith.addi %shift_left3A_32, %add3A_50 : vector<16xi32>
      %shift_right_logical3A_52 = arith.constant 7 : i32
      %shift_right_logical3A_53 = vector.broadcast %shift_right_logical3A_52 : i32 to vector<16xi32>
      %shift_right_logical3A_54 = arith.shrui %add3A_51, %shift_right_logical3A_53 : vector<16xi32>
      %and3A_55 = arith.constant 127 : i32
      %and3A_56 = vector.broadcast %and3A_55 : i32 to vector<16xi32>
      %and3A_57 = arith.andi %add3A_51, %and3A_56 : vector<16xi32>
      tpu.vector_store_idx %arg8[%shift_right_logical3A_54, %and3A_57], %gather3A_48 : memref<128x128xf32, #tpu.memory_space<vmem>>[vector<16xi32>, vector<16xi32>], vector<16xf32>,
      %add3A_58 = arith.constant 2 : i32
      %add3A_59 = vector.broadcast %add3A_58 : i32 to vector<16xi32>
      %add3A_60 = arith.addi %shift_left3A_29, %add3A_59 : vector<16xi32>
      %gather3A_61 = tpu.vector_load_idx %arg7[%add3A_22, %add3A_60] : memref<512x128xf32, #tpu.memory_space<vmem>>[vector<16xi32>, vector<16xi32>], vector<16xf32>,
      %add3A_62 = arith.constant 2 : i32
      %add3A_63 = vector.broadcast %add3A_62 : i32 to vector<16xi32>
      %add3A_64 = arith.addi %shift_left3A_32, %add3A_63 : vector<16xi32>
      %shift_right_logical3A_65 = arith.constant 7 : i32
      %shift_right_logical3A_66 = vector.broadcast %shift_right_logical3A_65 : i32 to vector<16xi32>
      %shift_right_logical3A_67 = arith.shrui %add3A_64, %shift_right_logical3A_66 : vector<16xi32>
      %and3A_68 = arith.constant 127 : i32
      %and3A_69 = vector.broadcast %and3A_68 : i32 to vector<16xi32>
      %and3A_70 = arith.andi %add3A_64, %and3A_69 : vector<16xi32>
      tpu.vector_store_idx %arg8[%shift_right_logical3A_67, %and3A_70], %gather3A_61 : memref<128x128xf32, #tpu.memory_space<vmem>>[vector<16xi32>, vector<16xi32>], vector<16xf32>,
      %add3A_71 = arith.constant 3 : i32
      %add3A_72 = vector.broadcast %add3A_71 : i32 to vector<16xi32>
      %add3A_73 = arith.addi %shift_left3A_29, %add3A_72 : vector<16xi32>
      %gather3A_74 = tpu.vector_load_idx %arg7[%add3A_22, %add3A_73] : memref<512x128xf32, #tpu.memory_space<vmem>>[vector<16xi32>, vector<16xi32>], vector<16xf32>,
      %add3A_75 = arith.constant 3 : i32
      %add3A_76 = vector.broadcast %add3A_75 : i32 to vector<16xi32>
      %add3A_77 = arith.addi %shift_left3A_32, %add3A_76 : vector<16xi32>
      %shift_right_logical3A_78 = arith.constant 7 : i32
      %shift_right_logical3A_79 = vector.broadcast %shift_right_logical3A_78 : i32 to vector<16xi32>
      %shift_right_logical3A_80 = arith.shrui %add3A_77, %shift_right_logical3A_79 : vector<16xi32>
      %and3A_81 = arith.constant 127 : i32
      %and3A_82 = vector.broadcast %and3A_81 : i32 to vector<16xi32>
      %and3A_83 = arith.andi %add3A_77, %and3A_82 : vector<16xi32>
      tpu.vector_store_idx %arg8[%shift_right_logical3A_80, %and3A_83], %gather3A_74 : memref<128x128xf32, #tpu.memory_space<vmem>>[vector<16xi32>, vector<16xi32>], vector<16xf32>,
      %add3A_84 = arith.constant 4 : i32
      %add3A_85 = vector.broadcast %add3A_84 : i32 to vector<16xi32>
      %add3A_86 = arith.addi %shift_left3A_29, %add3A_85 : vector<16xi32>
      %gather3A_87 = tpu.vector_load_idx %arg7[%add3A_22, %add3A_86] : memref<512x128xf32, #tpu.memory_space<vmem>>[vector<16xi32>, vector<16xi32>], vector<16xf32>,
      %add3A_88 = arith.constant 4 : i32
      %add3A_89 = vector.broadcast %add3A_88 : i32 to vector<16xi32>
      %add3A_90 = arith.addi %shift_left3A_32, %add3A_89 : vector<16xi32>
      %shift_right_logical3A_91 = arith.constant 7 : i32
      %shift_right_logical3A_92 = vector.broadcast %shift_right_logical3A_91 : i32 to vector<16xi32>
      %shift_right_logical3A_93 = arith.shrui %add3A_90, %shift_right_logical3A_92 : vector<16xi32>
      %and3A_94 = arith.constant 127 : i32
      %and3A_95 = vector.broadcast %and3A_94 : i32 to vector<16xi32>
      %and3A_96 = arith.andi %add3A_90, %and3A_95 : vector<16xi32>
      tpu.vector_store_idx %arg8[%shift_right_logical3A_93, %and3A_96], %gather3A_87 : memref<128x128xf32, #tpu.memory_space<vmem>>[vector<16xi32>, vector<16xi32>], vector<16xf32>,
      %add3A_97 = arith.constant 5 : i32
      %add3A_98 = vector.broadcast %add3A_97 : i32 to vector<16xi32>
      %add3A_99 = arith.addi %shift_left3A_29, %add3A_98 : vector<16xi32>
      %gather3A_100 = tpu.vector_load_idx %arg7[%add3A_22, %add3A_99] : memref<512x128xf32, #tpu.memory_space<vmem>>[vector<16xi32>, vector<16xi32>], vector<16xf32>,
      %add3A_101 = arith.constant 5 : i32
      %add3A_102 = vector.broadcast %add3A_101 : i32 to vector<16xi32>
      %add3A_103 = arith.addi %shift_left3A_32, %add3A_102 : vector<16xi32>
      %shift_right_logical3A_104 = arith.constant 7 : i32
      %shift_right_logical3A_105 = vector.broadcast %shift_right_logical3A_104 : i32 to vector<16xi32>
      %shift_right_logical3A_106 = arith.shrui %add3A_103, %shift_right_logical3A_105 : vector<16xi32>
      %and3A_107 = arith.constant 127 : i32
      %and3A_108 = vector.broadcast %and3A_107 : i32 to vector<16xi32>
      %and3A_109 = arith.andi %add3A_103, %and3A_108 : vector<16xi32>
      tpu.vector_store_idx %arg8[%shift_right_logical3A_106, %and3A_109], %gather3A_100 : memref<128x128xf32, #tpu.memory_space<vmem>>[vector<16xi32>, vector<16xi32>], vector<16xf32>,
      %add3A_110 = arith.constant 6 : i32
      %add3A_111 = vector.broadcast %add3A_110 : i32 to vector<16xi32>
      %add3A_112 = arith.addi %shift_left3A_29, %add3A_111 : vector<16xi32>
      %gather3A_113 = tpu.vector_load_idx %arg7[%add3A_22, %add3A_112] : memref<512x128xf32, #tpu.memory_space<vmem>>[vector<16xi32>, vector<16xi32>], vector<16xf32>,
      %add3A_114 = arith.constant 6 : i32
      %add3A_115 = vector.broadcast %add3A_114 : i32 to vector<16xi32>
      %add3A_116 = arith.addi %shift_left3A_32, %add3A_115 : vector<16xi32>
      %shift_right_logical3A_117 = arith.constant 7 : i32
      %shift_right_logical3A_118 = vector.broadcast %shift_right_logical3A_117 : i32 to vector<16xi32>
      %shift_right_logical3A_119 = arith.shrui %add3A_116, %shift_right_logical3A_118 : vector<16xi32>
      %and3A_120 = arith.constant 127 : i32
      %and3A_121 = vector.broadcast %and3A_120 : i32 to vector<16xi32>
      %and3A_122 = arith.andi %add3A_116, %and3A_121 : vector<16xi32>
      tpu.vector_store_idx %arg8[%shift_right_logical3A_119, %and3A_122], %gather3A_113 : memref<128x128xf32, #tpu.memory_space<vmem>>[vector<16xi32>, vector<16xi32>], vector<16xf32>,
      %add3A_123 = arith.constant 7 : i32
      %add3A_124 = vector.broadcast %add3A_123 : i32 to vector<16xi32>
      %add3A_125 = arith.addi %shift_left3A_29, %add3A_124 : vector<16xi32>
      %gather3A_126 = tpu.vector_load_idx %arg7[%add3A_22, %add3A_125] : memref<512x128xf32, #tpu.memory_space<vmem>>[vector<16xi32>, vector<16xi32>], vector<16xf32>,
      %add3A_127 = arith.constant 7 : i32
      %add3A_128 = vector.broadcast %add3A_127 : i32 to vector<16xi32>
      %add3A_129 = arith.addi %shift_left3A_32, %add3A_128 : vector<16xi32>
      %shift_right_logical3A_130 = arith.constant 7 : i32
      %shift_right_logical3A_131 = vector.broadcast %shift_right_logical3A_130 : i32 to vector<16xi32>
      %shift_right_logical3A_132 = arith.shrui %add3A_129, %shift_right_logical3A_131 : vector<16xi32>
      %and3A_133 = arith.constant 127 : i32
      %and3A_134 = vector.broadcast %and3A_133 : i32 to vector<16xi32>
      %and3A_135 = arith.andi %add3A_129, %and3A_134 : vector<16xi32>
      tpu.vector_store_idx %arg8[%shift_right_logical3A_132, %and3A_135], %gather3A_126 : memref<128x128xf32, #tpu.memory_space<vmem>>[vector<16xi32>, vector<16xi32>], vector<16xf32>,
      %add3A_136 = arith.constant 8 : i32
      %add3A_137 = vector.broadcast %add3A_136 : i32 to vector<16xi32>
      %add3A_138 = arith.addi %shift_left3A_29, %add3A_137 : vector<16xi32>
      %gather3A_139 = tpu.vector_load_idx %arg7[%add3A_22, %add3A_138] : memref<512x128xf32, #tpu.memory_space<vmem>>[vector<16xi32>, vector<16xi32>], vector<16xf32>,
      %add3A_140 = arith.constant 8 : i32
      %add3A_141 = vector.broadcast %add3A_140 : i32 to vector<16xi32>
      %add3A_142 = arith.addi %shift_left3A_32, %add3A_141 : vector<16xi32>
      %shift_right_logical3A_143 = arith.constant 7 : i32
      %shift_right_logical3A_144 = vector.broadcast %shift_right_logical3A_143 : i32 to vector<16xi32>
      %shift_right_logical3A_145 = arith.shrui %add3A_142, %shift_right_logical3A_144 : vector<16xi32>
      %and3A_146 = arith.constant 127 : i32
      %and3A_147 = vector.broadcast %and3A_146 : i32 to vector<16xi32>
      %and3A_148 = arith.andi %add3A_142, %and3A_147 : vector<16xi32>
      tpu.vector_store_idx %arg8[%shift_right_logical3A_145, %and3A_148], %gather3A_139 : memref<128x128xf32, #tpu.memory_space<vmem>>[vector<16xi32>, vector<16xi32>], vector<16xf32>,
      %add3A_149 = arith.constant 9 : i32
      %add3A_150 = vector.broadcast %add3A_149 : i32 to vector<16xi32>
      %add3A_151 = arith.addi %shift_left3A_29, %add3A_150 : vector<16xi32>
      %gather3A_152 = tpu.vector_load_idx %arg7[%add3A_22, %add3A_151] : memref<512x128xf32, #tpu.memory_space<vmem>>[vector<16xi32>, vector<16xi32>], vector<16xf32>,
      %add3A_153 = arith.constant 9 : i32
      %add3A_154 = vector.broadcast %add3A_153 : i32 to vector<16xi32>
      %add3A_155 = arith.addi %shift_left3A_32, %add3A_154 : vector<16xi32>
      %shift_right_logical3A_156 = arith.constant 7 : i32
      %shift_right_logical3A_157 = vector.broadcast %shift_right_logical3A_156 : i32 to vector<16xi32>
      %shift_right_logical3A_158 = arith.shrui %add3A_155, %shift_right_logical3A_157 : vector<16xi32>
      %and3A_159 = arith.constant 127 : i32
      %and3A_160 = vector.broadcast %and3A_159 : i32 to vector<16xi32>
      %and3A_161 = arith.andi %add3A_155, %and3A_160 : vector<16xi32>
      tpu.vector_store_idx %arg8[%shift_right_logical3A_158, %and3A_161], %gather3A_152 : memref<128x128xf32, #tpu.memory_space<vmem>>[vector<16xi32>, vector<16xi32>], vector<16xf32>,
      %add3A_162 = arith.constant 10 : i32
      %add3A_163 = vector.broadcast %add3A_162 : i32 to vector<16xi32>
      %add3A_164 = arith.addi %shift_left3A_29, %add3A_163 : vector<16xi32>
      %gather3A_165 = tpu.vector_load_idx %arg7[%add3A_22, %add3A_164] : memref<512x128xf32, #tpu.memory_space<vmem>>[vector<16xi32>, vector<16xi32>], vector<16xf32>,
      %add3A_166 = arith.constant 10 : i32
      %add3A_167 = vector.broadcast %add3A_166 : i32 to vector<16xi32>
      %add3A_168 = arith.addi %shift_left3A_32, %add3A_167 : vector<16xi32>
      %shift_right_logical3A_169 = arith.constant 7 : i32
      %shift_right_logical3A_170 = vector.broadcast %shift_right_logical3A_169 : i32 to vector<16xi32>
      %shift_right_logical3A_171 = arith.shrui %add3A_168, %shift_right_logical3A_170 : vector<16xi32>
      %and3A_172 = arith.constant 127 : i32
      %and3A_173 = vector.broadcast %and3A_172 : i32 to vector<16xi32>
      %and3A_174 = arith.andi %add3A_168, %and3A_173 : vector<16xi32>
      tpu.vector_store_idx %arg8[%shift_right_logical3A_171, %and3A_174], %gather3A_165 : memref<128x128xf32, #tpu.memory_space<vmem>>[vector<16xi32>, vector<16xi32>], vector<16xf32>,
      %add3A_175 = arith.constant 11 : i32
      %add3A_176 = vector.broadcast %add3A_175 : i32 to vector<16xi32>
      %add3A_177 = arith.addi %shift_left3A_29, %add3A_176 : vector<16xi32>
      %gather3A_178 = tpu.vector_load_idx %arg7[%add3A_22, %add3A_177] : memref<512x128xf32, #tpu.memory_space<vmem>>[vector<16xi32>, vector<16xi32>], vector<16xf32>,
      %add3A_179 = arith.constant 11 : i32
      %add3A_180 = vector.broadcast %add3A_179 : i32 to vector<16xi32>
      %add3A_181 = arith.addi %shift_left3A_32, %add3A_180 : vector<16xi32>
      %shift_right_logical3A_182 = arith.constant 7 : i32
      %shift_right_logical3A_183 = vector.broadcast %shift_right_logical3A_182 : i32 to vector<16xi32>
      %shift_right_logical3A_184 = arith.shrui %add3A_181, %shift_right_logical3A_183 : vector<16xi32>
      %and3A_185 = arith.constant 127 : i32
      %and3A_186 = vector.broadcast %and3A_185 : i32 to vector<16xi32>
      %and3A_187 = arith.andi %add3A_181, %and3A_186 : vector<16xi32>
      tpu.vector_store_idx %arg8[%shift_right_logical3A_184, %and3A_187], %gather3A_178 : memref<128x128xf32, #tpu.memory_space<vmem>>[vector<16xi32>, vector<16xi32>], vector<16xf32>,
      %add3A_188 = arith.constant 12 : i32
      %add3A_189 = vector.broadcast %add3A_188 : i32 to vector<16xi32>
      %add3A_190 = arith.addi %shift_left3A_29, %add3A_189 : vector<16xi32>
      %gather3A_191 = tpu.vector_load_idx %arg7[%add3A_22, %add3A_190] : memref<512x128xf32, #tpu.memory_space<vmem>>[vector<16xi32>, vector<16xi32>], vector<16xf32>,
      %add3A_192 = arith.constant 12 : i32
      %add3A_193 = vector.broadcast %add3A_192 : i32 to vector<16xi32>
      %add3A_194 = arith.addi %shift_left3A_32, %add3A_193 : vector<16xi32>
      %shift_right_logical3A_195 = arith.constant 7 : i32
      %shift_right_logical3A_196 = vector.broadcast %shift_right_logical3A_195 : i32 to vector<16xi32>
      %shift_right_logical3A_197 = arith.shrui %add3A_194, %shift_right_logical3A_196 : vector<16xi32>
      %and3A_198 = arith.constant 127 : i32
      %and3A_199 = vector.broadcast %and3A_198 : i32 to vector<16xi32>
      %and3A_200 = arith.andi %add3A_194, %and3A_199 : vector<16xi32>
      tpu.vector_store_idx %arg8[%shift_right_logical3A_197, %and3A_200], %gather3A_191 : memref<128x128xf32, #tpu.memory_space<vmem>>[vector<16xi32>, vector<16xi32>], vector<16xf32>,
      %add3A_201 = arith.constant 13 : i32
      %add3A_202 = vector.broadcast %add3A_201 : i32 to vector<16xi32>
      %add3A_203 = arith.addi %shift_left3A_29, %add3A_202 : vector<16xi32>
      %gather3A_204 = tpu.vector_load_idx %arg7[%add3A_22, %add3A_203] : memref<512x128xf32, #tpu.memory_space<vmem>>[vector<16xi32>, vector<16xi32>], vector<16xf32>,
      %add3A_205 = arith.constant 13 : i32
      %add3A_206 = vector.broadcast %add3A_205 : i32 to vector<16xi32>
      %add3A_207 = arith.addi %shift_left3A_32, %add3A_206 : vector<16xi32>
      %shift_right_logical3A_208 = arith.constant 7 : i32
      %shift_right_logical3A_209 = vector.broadcast %shift_right_logical3A_208 : i32 to vector<16xi32>
      %shift_right_logical3A_210 = arith.shrui %add3A_207, %shift_right_logical3A_209 : vector<16xi32>
      %and3A_211 = arith.constant 127 : i32
      %and3A_212 = vector.broadcast %and3A_211 : i32 to vector<16xi32>
      %and3A_213 = arith.andi %add3A_207, %and3A_212 : vector<16xi32>
      tpu.vector_store_idx %arg8[%shift_right_logical3A_210, %and3A_213], %gather3A_204 : memref<128x128xf32, #tpu.memory_space<vmem>>[vector<16xi32>, vector<16xi32>], vector<16xf32>,
      %add3A_214 = arith.constant 14 : i32
      %add3A_215 = vector.broadcast %add3A_214 : i32 to vector<16xi32>
      %add3A_216 = arith.addi %shift_left3A_29, %add3A_215 : vector<16xi32>
      %gather3A_217 = tpu.vector_load_idx %arg7[%add3A_22, %add3A_216] : memref<512x128xf32, #tpu.memory_space<vmem>>[vector<16xi32>, vector<16xi32>], vector<16xf32>,
      %add3A_218 = arith.constant 14 : i32
      %add3A_219 = vector.broadcast %add3A_218 : i32 to vector<16xi32>
      %add3A_220 = arith.addi %shift_left3A_32, %add3A_219 : vector<16xi32>
      %shift_right_logical3A_221 = arith.constant 7 : i32
      %shift_right_logical3A_222 = vector.broadcast %shift_right_logical3A_221 : i32 to vector<16xi32>
      %shift_right_logical3A_223 = arith.shrui %add3A_220, %shift_right_logical3A_222 : vector<16xi32>
      %and3A_224 = arith.constant 127 : i32
      %and3A_225 = vector.broadcast %and3A_224 : i32 to vector<16xi32>
      %and3A_226 = arith.andi %add3A_220, %and3A_225 : vector<16xi32>
      tpu.vector_store_idx %arg8[%shift_right_logical3A_223, %and3A_226], %gather3A_217 : memref<128x128xf32, #tpu.memory_space<vmem>>[vector<16xi32>, vector<16xi32>], vector<16xf32>,
      %add3A_227 = arith.constant 15 : i32
      %add3A_228 = vector.broadcast %add3A_227 : i32 to vector<16xi32>
      %add3A_229 = arith.addi %shift_left3A_29, %add3A_228 : vector<16xi32>
      %gather3A_230 = tpu.vector_load_idx %arg7[%add3A_22, %add3A_229] : memref<512x128xf32, #tpu.memory_space<vmem>>[vector<16xi32>, vector<16xi32>], vector<16xf32>,
      %add3A_231 = arith.constant 15 : i32
      %add3A_232 = vector.broadcast %add3A_231 : i32 to vector<16xi32>
      %add3A_233 = arith.addi %shift_left3A_32, %add3A_232 : vector<16xi32>
      %shift_right_logical3A_234 = arith.constant 7 : i32
      %shift_right_logical3A_235 = vector.broadcast %shift_right_logical3A_234 : i32 to vector<16xi32>
      %shift_right_logical3A_236 = arith.shrui %add3A_233, %shift_right_logical3A_235 : vector<16xi32>
      %and3A_237 = arith.constant 127 : i32
      %and3A_238 = vector.broadcast %and3A_237 : i32 to vector<16xi32>
      %and3A_239 = arith.andi %add3A_233, %and3A_238 : vector<16xi32>
      tpu.vector_store_idx %arg8[%shift_right_logical3A_236, %and3A_239], %gather3A_230 : memref<128x128xf32, #tpu.memory_space<vmem>>[vector<16xi32>, vector<16xi32>], vector<16xf32>,
      %add3A_240 = arith.constant 16 : i32
      %add3A_241 = vector.broadcast %add3A_240 : i32 to vector<16xi32>
      %add3A_242 = arith.addi %shift_left3A_29, %add3A_241 : vector<16xi32>
      %gather3A_243 = tpu.vector_load_idx %arg7[%add3A_22, %add3A_242] : memref<512x128xf32, #tpu.memory_space<vmem>>[vector<16xi32>, vector<16xi32>], vector<16xf32>,
      %add3A_244 = arith.constant 16 : i32
      %add3A_245 = vector.broadcast %add3A_244 : i32 to vector<16xi32>
      %add3A_246 = arith.addi %shift_left3A_32, %add3A_245 : vector<16xi32>
      %shift_right_logical3A_247 = arith.constant 7 : i32
      %shift_right_logical3A_248 = vector.broadcast %shift_right_logical3A_247 : i32 to vector<16xi32>
      %shift_right_logical3A_249 = arith.shrui %add3A_246, %shift_right_logical3A_248 : vector<16xi32>
      %and3A_250 = arith.constant 127 : i32
      %and3A_251 = vector.broadcast %and3A_250 : i32 to vector<16xi32>
      %and3A_252 = arith.andi %add3A_246, %and3A_251 : vector<16xi32>
      tpu.vector_store_idx %arg8[%shift_right_logical3A_249, %and3A_252], %gather3A_243 : memref<128x128xf32, #tpu.memory_space<vmem>>[vector<16xi32>, vector<16xi32>], vector<16xf32>,
      %add3A_253 = arith.constant 17 : i32
      %add3A_254 = vector.broadcast %add3A_253 : i32 to vector<16xi32>
      %add3A_255 = arith.addi %shift_left3A_29, %add3A_254 : vector<16xi32>
      %gather3A_256 = tpu.vector_load_idx %arg7[%add3A_22, %add3A_255] : memref<512x128xf32, #tpu.memory_space<vmem>>[vector<16xi32>, vector<16xi32>], vector<16xf32>,
      %add3A_257 = arith.constant 17 : i32
      %add3A_258 = vector.broadcast %add3A_257 : i32 to vector<16xi32>
      %add3A_259 = arith.addi %shift_left3A_32, %add3A_258 : vector<16xi32>
      %shift_right_logical3A_260 = arith.constant 7 : i32
      %shift_right_logical3A_261 = vector.broadcast %shift_right_logical3A_260 : i32 to vector<16xi32>
      %shift_right_logical3A_262 = arith.shrui %add3A_259, %shift_right_logical3A_261 : vector<16xi32>
      %and3A_263 = arith.constant 127 : i32
      %and3A_264 = vector.broadcast %and3A_263 : i32 to vector<16xi32>
      %and3A_265 = arith.andi %add3A_259, %and3A_264 : vector<16xi32>
      tpu.vector_store_idx %arg8[%shift_right_logical3A_262, %and3A_265], %gather3A_256 : memref<128x128xf32, #tpu.memory_space<vmem>>[vector<16xi32>, vector<16xi32>], vector<16xf32>,
      %add3A_266 = arith.constant 18 : i32
      %add3A_267 = vector.broadcast %add3A_266 : i32 to vector<16xi32>
      %add3A_268 = arith.addi %shift_left3A_29, %add3A_267 : vector<16xi32>
      %gather3A_269 = tpu.vector_load_idx %arg7[%add3A_22, %add3A_268] : memref<512x128xf32, #tpu.memory_space<vmem>>[vector<16xi32>, vector<16xi32>], vector<16xf32>,
      %add3A_270 = arith.constant 18 : i32
      %add3A_271 = vector.broadcast %add3A_270 : i32 to vector<16xi32>
      %add3A_272 = arith.addi %shift_left3A_32, %add3A_271 : vector<16xi32>
      %shift_right_logical3A_273 = arith.constant 7 : i32
      %shift_right_logical3A_274 = vector.broadcast %shift_right_logical3A_273 : i32 to vector<16xi32>
      %shift_right_logical3A_275 = arith.shrui %add3A_272, %shift_right_logical3A_274 : vector<16xi32>
      %and3A_276 = arith.constant 127 : i32
      %and3A_277 = vector.broadcast %and3A_276 : i32 to vector<16xi32>
      %and3A_278 = arith.andi %add3A_272, %and3A_277 : vector<16xi32>
      tpu.vector_store_idx %arg8[%shift_right_logical3A_275, %and3A_278], %gather3A_269 : memref<128x128xf32, #tpu.memory_space<vmem>>[vector<16xi32>, vector<16xi32>], vector<16xf32>,
      %add3A_279 = arith.constant 19 : i32
      %add3A_280 = vector.broadcast %add3A_279 : i32 to vector<16xi32>
      %add3A_281 = arith.addi %shift_left3A_29, %add3A_280 : vector<16xi32>
      %gather3A_282 = tpu.vector_load_idx %arg7[%add3A_22, %add3A_281] : memref<512x128xf32, #tpu.memory_space<vmem>>[vector<16xi32>, vector<16xi32>], vector<16xf32>,
      %add3A_283 = arith.constant 19 : i32
      %add3A_284 = vector.broadcast %add3A_283 : i32 to vector<16xi32>
      %add3A_285 = arith.addi %shift_left3A_32, %add3A_284 : vector<16xi32>
      %shift_right_logical3A_286 = arith.constant 7 : i32
      %shift_right_logical3A_287 = vector.broadcast %shift_right_logical3A_286 : i32 to vector<16xi32>
      %shift_right_logical3A_288 = arith.shrui %add3A_285, %shift_right_logical3A_287 : vector<16xi32>
      %and3A_289 = arith.constant 127 : i32
      %and3A_290 = vector.broadcast %and3A_289 : i32 to vector<16xi32>
      %and3A_291 = arith.andi %add3A_285, %and3A_290 : vector<16xi32>
      tpu.vector_store_idx %arg8[%shift_right_logical3A_288, %and3A_291], %gather3A_282 : memref<128x128xf32, #tpu.memory_space<vmem>>[vector<16xi32>, vector<16xi32>], vector<16xf32>,
      %add3A_292 = arith.constant 20 : i32
      %add3A_293 = vector.broadcast %add3A_292 : i32 to vector<16xi32>
      %add3A_294 = arith.addi %shift_left3A_29, %add3A_293 : vector<16xi32>
      %gather3A_295 = tpu.vector_load_idx %arg7[%add3A_22, %add3A_294] : memref<512x128xf32, #tpu.memory_space<vmem>>[vector<16xi32>, vector<16xi32>], vector<16xf32>,
      %add3A_296 = arith.constant 20 : i32
      %add3A_297 = vector.broadcast %add3A_296 : i32 to vector<16xi32>
      %add3A_298 = arith.addi %shift_left3A_32, %add3A_297 : vector<16xi32>
      %shift_right_logical3A_299 = arith.constant 7 : i32
      %shift_right_logical3A_300 = vector.broadcast %shift_right_logical3A_299 : i32 to vector<16xi32>
      %shift_right_logical3A_301 = arith.shrui %add3A_298, %shift_right_logical3A_300 : vector<16xi32>
      %and3A_302 = arith.constant 127 : i32
      %and3A_303 = vector.broadcast %and3A_302 : i32 to vector<16xi32>
      %and3A_304 = arith.andi %add3A_298, %and3A_303 : vector<16xi32>
      tpu.vector_store_idx %arg8[%shift_right_logical3A_301, %and3A_304], %gather3A_295 : memref<128x128xf32, #tpu.memory_space<vmem>>[vector<16xi32>, vector<16xi32>], vector<16xf32>,
      %add3A_305 = arith.constant 21 : i32
      %add3A_306 = vector.broadcast %add3A_305 : i32 to vector<16xi32>
      %add3A_307 = arith.addi %shift_left3A_29, %add3A_306 : vector<16xi32>
      %gather3A_308 = tpu.vector_load_idx %arg7[%add3A_22, %add3A_307] : memref<512x128xf32, #tpu.memory_space<vmem>>[vector<16xi32>, vector<16xi32>], vector<16xf32>,
      %add3A_309 = arith.constant 21 : i32
      %add3A_310 = vector.broadcast %add3A_309 : i32 to vector<16xi32>
      %add3A_311 = arith.addi %shift_left3A_32, %add3A_310 : vector<16xi32>
      %shift_right_logical3A_312 = arith.constant 7 : i32
      %shift_right_logical3A_313 = vector.broadcast %shift_right_logical3A_312 : i32 to vector<16xi32>
      %shift_right_logical3A_314 = arith.shrui %add3A_311, %shift_right_logical3A_313 : vector<16xi32>
      %and3A_315 = arith.constant 127 : i32
      %and3A_316 = vector.broadcast %and3A_315 : i32 to vector<16xi32>
      %and3A_317 = arith.andi %add3A_311, %and3A_316 : vector<16xi32>
      tpu.vector_store_idx %arg8[%shift_right_logical3A_314, %and3A_317], %gather3A_308 : memref<128x128xf32, #tpu.memory_space<vmem>>[vector<16xi32>, vector<16xi32>], vector<16xf32>,
      %add3A_318 = arith.constant 22 : i32
      %add3A_319 = vector.broadcast %add3A_318 : i32 to vector<16xi32>
      %add3A_320 = arith.addi %shift_left3A_29, %add3A_319 : vector<16xi32>
      %gather3A_321 = tpu.vector_load_idx %arg7[%add3A_22, %add3A_320] : memref<512x128xf32, #tpu.memory_space<vmem>>[vector<16xi32>, vector<16xi32>], vector<16xf32>,
      %add3A_322 = arith.constant 22 : i32
      %add3A_323 = vector.broadcast %add3A_322 : i32 to vector<16xi32>
      %add3A_324 = arith.addi %shift_left3A_32, %add3A_323 : vector<16xi32>
      %shift_right_logical3A_325 = arith.constant 7 : i32
      %shift_right_logical3A_326 = vector.broadcast %shift_right_logical3A_325 : i32 to vector<16xi32>
      %shift_right_logical3A_327 = arith.shrui %add3A_324, %shift_right_logical3A_326 : vector<16xi32>
      %and3A_328 = arith.constant 127 : i32
      %and3A_329 = vector.broadcast %and3A_328 : i32 to vector<16xi32>
      %and3A_330 = arith.andi %add3A_324, %and3A_329 : vector<16xi32>
      tpu.vector_store_idx %arg8[%shift_right_logical3A_327, %and3A_330], %gather3A_321 : memref<128x128xf32, #tpu.memory_space<vmem>>[vector<16xi32>, vector<16xi32>], vector<16xf32>,
      %add3A_331 = arith.constant 23 : i32
      %add3A_332 = vector.broadcast %add3A_331 : i32 to vector<16xi32>
      %add3A_333 = arith.addi %shift_left3A_29, %add3A_332 : vector<16xi32>
      %gather3A_334 = tpu.vector_load_idx %arg7[%add3A_22, %add3A_333] : memref<512x128xf32, #tpu.memory_space<vmem>>[vector<16xi32>, vector<16xi32>], vector<16xf32>,
      %add3A_335 = arith.constant 23 : i32
      %add3A_336 = vector.broadcast %add3A_335 : i32 to vector<16xi32>
      %add3A_337 = arith.addi %shift_left3A_32, %add3A_336 : vector<16xi32>
      %shift_right_logical3A_338 = arith.constant 7 : i32
      %shift_right_logical3A_339 = vector.broadcast %shift_right_logical3A_338 : i32 to vector<16xi32>
      %shift_right_logical3A_340 = arith.shrui %add3A_337, %shift_right_logical3A_339 : vector<16xi32>
      %and3A_341 = arith.constant 127 : i32
      %and3A_342 = vector.broadcast %and3A_341 : i32 to vector<16xi32>
      %and3A_343 = arith.andi %add3A_337, %and3A_342 : vector<16xi32>
      tpu.vector_store_idx %arg8[%shift_right_logical3A_340, %and3A_343], %gather3A_334 : memref<128x128xf32, #tpu.memory_space<vmem>>[vector<16xi32>, vector<16xi32>], vector<16xf32>,
      %add3A_344 = arith.constant 24 : i32
      %add3A_345 = vector.broadcast %add3A_344 : i32 to vector<16xi32>
      %add3A_346 = arith.addi %shift_left3A_29, %add3A_345 : vector<16xi32>
      %gather3A_347 = tpu.vector_load_idx %arg7[%add3A_22, %add3A_346] : memref<512x128xf32, #tpu.memory_space<vmem>>[vector<16xi32>, vector<16xi32>], vector<16xf32>,
      %add3A_348 = arith.constant 24 : i32
      %add3A_349 = vector.broadcast %add3A_348 : i32 to vector<16xi32>
      %add3A_350 = arith.addi %shift_left3A_32, %add3A_349 : vector<16xi32>
      %shift_right_logical3A_351 = arith.constant 7 : i32
      %shift_right_logical3A_352 = vector.broadcast %shift_right_logical3A_351 : i32 to vector<16xi32>
      %shift_right_logical3A_353 = arith.shrui %add3A_350, %shift_right_logical3A_352 : vector<16xi32>
      %and3A_354 = arith.constant 127 : i32
      %and3A_355 = vector.broadcast %and3A_354 : i32 to vector<16xi32>
      %and3A_356 = arith.andi %add3A_350, %and3A_355 : vector<16xi32>
      tpu.vector_store_idx %arg8[%shift_right_logical3A_353, %and3A_356], %gather3A_347 : memref<128x128xf32, #tpu.memory_space<vmem>>[vector<16xi32>, vector<16xi32>], vector<16xf32>,
      %add3A_357 = arith.constant 25 : i32
      %add3A_358 = vector.broadcast %add3A_357 : i32 to vector<16xi32>
      %add3A_359 = arith.addi %shift_left3A_29, %add3A_358 : vector<16xi32>
      %gather3A_360 = tpu.vector_load_idx %arg7[%add3A_22, %add3A_359] : memref<512x128xf32, #tpu.memory_space<vmem>>[vector<16xi32>, vector<16xi32>], vector<16xf32>,
      %add3A_361 = arith.constant 25 : i32
      %add3A_362 = vector.broadcast %add3A_361 : i32 to vector<16xi32>
      %add3A_363 = arith.addi %shift_left3A_32, %add3A_362 : vector<16xi32>
      %shift_right_logical3A_364 = arith.constant 7 : i32
      %shift_right_logical3A_365 = vector.broadcast %shift_right_logical3A_364 : i32 to vector<16xi32>
      %shift_right_logical3A_366 = arith.shrui %add3A_363, %shift_right_logical3A_365 : vector<16xi32>
      %and3A_367 = arith.constant 127 : i32
      %and3A_368 = vector.broadcast %and3A_367 : i32 to vector<16xi32>
      %and3A_369 = arith.andi %add3A_363, %and3A_368 : vector<16xi32>
      tpu.vector_store_idx %arg8[%shift_right_logical3A_366, %and3A_369], %gather3A_360 : memref<128x128xf32, #tpu.memory_space<vmem>>[vector<16xi32>, vector<16xi32>], vector<16xf32>,
      %add3A_370 = arith.constant 26 : i32
      %add3A_371 = vector.broadcast %add3A_370 : i32 to vector<16xi32>
      %add3A_372 = arith.addi %shift_left3A_29, %add3A_371 : vector<16xi32>
      %gather3A_373 = tpu.vector_load_idx %arg7[%add3A_22, %add3A_372] : memref<512x128xf32, #tpu.memory_space<vmem>>[vector<16xi32>, vector<16xi32>], vector<16xf32>,
      %add3A_374 = arith.constant 26 : i32
      %add3A_375 = vector.broadcast %add3A_374 : i32 to vector<16xi32>
      %add3A_376 = arith.addi %shift_left3A_32, %add3A_375 : vector<16xi32>
      %shift_right_logical3A_377 = arith.constant 7 : i32
      %shift_right_logical3A_378 = vector.broadcast %shift_right_logical3A_377 : i32 to vector<16xi32>
      %shift_right_logical3A_379 = arith.shrui %add3A_376, %shift_right_logical3A_378 : vector<16xi32>
      %and3A_380 = arith.constant 127 : i32
      %and3A_381 = vector.broadcast %and3A_380 : i32 to vector<16xi32>
      %and3A_382 = arith.andi %add3A_376, %and3A_381 : vector<16xi32>
      tpu.vector_store_idx %arg8[%shift_right_logical3A_379, %and3A_382], %gather3A_373 : memref<128x128xf32, #tpu.memory_space<vmem>>[vector<16xi32>, vector<16xi32>], vector<16xf32>,
      %add3A_383 = arith.constant 27 : i32
      %add3A_384 = vector.broadcast %add3A_383 : i32 to vector<16xi32>
      %add3A_385 = arith.addi %shift_left3A_29, %add3A_384 : vector<16xi32>
      %gather3A_386 = tpu.vector_load_idx %arg7[%add3A_22, %add3A_385] : memref<512x128xf32, #tpu.memory_space<vmem>>[vector<16xi32>, vector<16xi32>], vector<16xf32>,
      %add3A_387 = arith.constant 27 : i32
      %add3A_388 = vector.broadcast %add3A_387 : i32 to vector<16xi32>
      %add3A_389 = arith.addi %shift_left3A_32, %add3A_388 : vector<16xi32>
      %shift_right_logical3A_390 = arith.constant 7 : i32
      %shift_right_logical3A_391 = vector.broadcast %shift_right_logical3A_390 : i32 to vector<16xi32>
      %shift_right_logical3A_392 = arith.shrui %add3A_389, %shift_right_logical3A_391 : vector<16xi32>
      %and3A_393 = arith.constant 127 : i32
      %and3A_394 = vector.broadcast %and3A_393 : i32 to vector<16xi32>
      %and3A_395 = arith.andi %add3A_389, %and3A_394 : vector<16xi32>
      tpu.vector_store_idx %arg8[%shift_right_logical3A_392, %and3A_395], %gather3A_386 : memref<128x128xf32, #tpu.memory_space<vmem>>[vector<16xi32>, vector<16xi32>], vector<16xf32>,
      %add3A_396 = arith.constant 28 : i32
      %add3A_397 = vector.broadcast %add3A_396 : i32 to vector<16xi32>
      %add3A_398 = arith.addi %shift_left3A_29, %add3A_397 : vector<16xi32>
      %gather3A_399 = tpu.vector_load_idx %arg7[%add3A_22, %add3A_398] : memref<512x128xf32, #tpu.memory_space<vmem>>[vector<16xi32>, vector<16xi32>], vector<16xf32>,
      %add3A_400 = arith.constant 28 : i32
      %add3A_401 = vector.broadcast %add3A_400 : i32 to vector<16xi32>
      %add3A_402 = arith.addi %shift_left3A_32, %add3A_401 : vector<16xi32>
      %shift_right_logical3A_403 = arith.constant 7 : i32
      %shift_right_logical3A_404 = vector.broadcast %shift_right_logical3A_403 : i32 to vector<16xi32>
      %shift_right_logical3A_405 = arith.shrui %add3A_402, %shift_right_logical3A_404 : vector<16xi32>
      %and3A_406 = arith.constant 127 : i32
      %and3A_407 = vector.broadcast %and3A_406 : i32 to vector<16xi32>
      %and3A_408 = arith.andi %add3A_402, %and3A_407 : vector<16xi32>
      tpu.vector_store_idx %arg8[%shift_right_logical3A_405, %and3A_408], %gather3A_399 : memref<128x128xf32, #tpu.memory_space<vmem>>[vector<16xi32>, vector<16xi32>], vector<16xf32>,
      %add3A_409 = arith.constant 29 : i32
      %add3A_410 = vector.broadcast %add3A_409 : i32 to vector<16xi32>
      %add3A_411 = arith.addi %shift_left3A_29, %add3A_410 : vector<16xi32>
      %gather3A_412 = tpu.vector_load_idx %arg7[%add3A_22, %add3A_411] : memref<512x128xf32, #tpu.memory_space<vmem>>[vector<16xi32>, vector<16xi32>], vector<16xf32>,
      %add3A_413 = arith.constant 29 : i32
      %add3A_414 = vector.broadcast %add3A_413 : i32 to vector<16xi32>
      %add3A_415 = arith.addi %shift_left3A_32, %add3A_414 : vector<16xi32>
      %shift_right_logical3A_416 = arith.constant 7 : i32
      %shift_right_logical3A_417 = vector.broadcast %shift_right_logical3A_416 : i32 to vector<16xi32>
      %shift_right_logical3A_418 = arith.shrui %add3A_415, %shift_right_logical3A_417 : vector<16xi32>
      %and3A_419 = arith.constant 127 : i32
      %and3A_420 = vector.broadcast %and3A_419 : i32 to vector<16xi32>
      %and3A_421 = arith.andi %add3A_415, %and3A_420 : vector<16xi32>
      tpu.vector_store_idx %arg8[%shift_right_logical3A_418, %and3A_421], %gather3A_412 : memref<128x128xf32, #tpu.memory_space<vmem>>[vector<16xi32>, vector<16xi32>], vector<16xf32>,
      %add3A_422 = arith.constant 30 : i32
      %add3A_423 = vector.broadcast %add3A_422 : i32 to vector<16xi32>
      %add3A_424 = arith.addi %shift_left3A_29, %add3A_423 : vector<16xi32>
      %gather3A_425 = tpu.vector_load_idx %arg7[%add3A_22, %add3A_424] : memref<512x128xf32, #tpu.memory_space<vmem>>[vector<16xi32>, vector<16xi32>], vector<16xf32>,
      %add3A_426 = arith.constant 30 : i32
      %add3A_427 = vector.broadcast %add3A_426 : i32 to vector<16xi32>
      %add3A_428 = arith.addi %shift_left3A_32, %add3A_427 : vector<16xi32>
      %shift_right_logical3A_429 = arith.constant 7 : i32
      %shift_right_logical3A_430 = vector.broadcast %shift_right_logical3A_429 : i32 to vector<16xi32>
      %shift_right_logical3A_431 = arith.shrui %add3A_428, %shift_right_logical3A_430 : vector<16xi32>
      %and3A_432 = arith.constant 127 : i32
      %and3A_433 = vector.broadcast %and3A_432 : i32 to vector<16xi32>
      %and3A_434 = arith.andi %add3A_428, %and3A_433 : vector<16xi32>
      tpu.vector_store_idx %arg8[%shift_right_logical3A_431, %and3A_434], %gather3A_425 : memref<128x128xf32, #tpu.memory_space<vmem>>[vector<16xi32>, vector<16xi32>], vector<16xf32>,
      %add3A_435 = arith.constant 31 : i32
      %add3A_436 = vector.broadcast %add3A_435 : i32 to vector<16xi32>
      %add3A_437 = arith.addi %shift_left3A_29, %add3A_436 : vector<16xi32>
      %gather3A_438 = tpu.vector_load_idx %arg7[%add3A_22, %add3A_437] : memref<512x128xf32, #tpu.memory_space<vmem>>[vector<16xi32>, vector<16xi32>], vector<16xf32>,
      %add3A_439 = arith.constant 31 : i32
      %add3A_440 = vector.broadcast %add3A_439 : i32 to vector<16xi32>
      %add3A_441 = arith.addi %shift_left3A_32, %add3A_440 : vector<16xi32>
      %shift_right_logical3A_442 = arith.constant 7 : i32
      %shift_right_logical3A_443 = vector.broadcast %shift_right_logical3A_442 : i32 to vector<16xi32>
      %shift_right_logical3A_444 = arith.shrui %add3A_441, %shift_right_logical3A_443 : vector<16xi32>
      %and3A_445 = arith.constant 127 : i32
      %and3A_446 = vector.broadcast %and3A_445 : i32 to vector<16xi32>
      %and3A_447 = arith.andi %add3A_441, %and3A_446 : vector<16xi32>
      tpu.vector_store_idx %arg8[%shift_right_logical3A_444, %and3A_447], %gather3A_438 : memref<128x128xf32, #tpu.memory_space<vmem>>[vector<16xi32>, vector<16xi32>], vector<16xf32>,
      %scan3A_448 = arith.constant 1 : i32
      %scan3A_449 = arith.addi %scan3A_18, %scan3A_448 : i32
      %mul3A_450 = arith.constant 16 : i32
      %mul3A_451 = arith.muli %scan3A_449, %mul3A_450 : i32
      %add3A_452 = vector.broadcast %mul3A_451 : i32 to vector<16xi32>
      %add3A_453 = arith.addi %add3A_452, %iota3A : vector<16xi32>
      %get3A_454 = arith.index_cast %mul3A_451 : i32 to index
      %get3A_455 = tpu.vector_load %arg5[%get3A_454] {strides = array<i32>} : memref<512xi32, #tpu.memory_space<vmem>>, vector<16xi32>,
      %shift_right_logical3A_456 = arith.constant 13 : i32
      %shift_right_logical3A_457 = vector.broadcast %shift_right_logical3A_456 : i32 to vector<16xi32>
      %shift_right_logical3A_458 = arith.shrui %get3A_455, %shift_right_logical3A_457 : vector<16xi32>
      %and3A_459 = arith.constant 3 : i32
      %and3A_460 = vector.broadcast %and3A_459 : i32 to vector<16xi32>
      %and3A_461 = arith.andi %shift_right_logical3A_458, %and3A_460 : vector<16xi32>
      %shift_left3A_462 = arith.constant 5 : i32
      %shift_left3A_463 = vector.broadcast %shift_left3A_462 : i32 to vector<16xi32>
      %shift_left3A_464 = arith.shli %and3A_461, %shift_left3A_463 : vector<16xi32>
      %shift_left3A_465 = arith.constant 5 : i32
      %shift_left3A_466 = vector.broadcast %shift_left3A_465 : i32 to vector<16xi32>
      %shift_left3A_467 = arith.shli %add3A_453, %shift_left3A_466 : vector<16xi32>
      %add3A_468 = arith.constant 0 : i32
      %add3A_469 = vector.broadcast %add3A_468 : i32 to vector<16xi32>
      %add3A_470 = arith.addi %shift_left3A_464, %add3A_469 : vector<16xi32>
      %gather3A_471 = tpu.vector_load_idx %arg7[%add3A_453, %add3A_470] : memref<512x128xf32, #tpu.memory_space<vmem>>[vector<16xi32>, vector<16xi32>], vector<16xf32>,
      %add3A_472 = arith.constant 0 : i32
      %add3A_473 = vector.broadcast %add3A_472 : i32 to vector<16xi32>
      %add3A_474 = arith.addi %shift_left3A_467, %add3A_473 : vector<16xi32>
      %shift_right_logical3A_475 = arith.constant 7 : i32
      %shift_right_logical3A_476 = vector.broadcast %shift_right_logical3A_475 : i32 to vector<16xi32>
      %shift_right_logical3A_477 = arith.shrui %add3A_474, %shift_right_logical3A_476 : vector<16xi32>
      %and3A_478 = arith.constant 127 : i32
      %and3A_479 = vector.broadcast %and3A_478 : i32 to vector<16xi32>
      %and3A_480 = arith.andi %add3A_474, %and3A_479 : vector<16xi32>
      tpu.vector_store_idx %arg8[%shift_right_logical3A_477, %and3A_480], %gather3A_471 : memref<128x128xf32, #tpu.memory_space<vmem>>[vector<16xi32>, vector<16xi32>], vector<16xf32>,
      %add3A_481 = arith.constant 1 : i32
      %add3A_482 = vector.broadcast %add3A_481 : i32 to vector<16xi32>
      %add3A_483 = arith.addi %shift_left3A_464, %add3A_482 : vector<16xi32>
      %gather3A_484 = tpu.vector_load_idx %arg7[%add3A_453, %add3A_483] : memref<512x128xf32, #tpu.memory_space<vmem>>[vector<16xi32>, vector<16xi32>], vector<16xf32>,
      %add3A_485 = arith.constant 1 : i32
      %add3A_486 = vector.broadcast %add3A_485 : i32 to vector<16xi32>
      %add3A_487 = arith.addi %shift_left3A_467, %add3A_486 : vector<16xi32>
      %shift_right_logical3A_488 = arith.constant 7 : i32
      %shift_right_logical3A_489 = vector.broadcast %shift_right_logical3A_488 : i32 to vector<16xi32>
      %shift_right_logical3A_490 = arith.shrui %add3A_487, %shift_right_logical3A_489 : vector<16xi32>
      %and3A_491 = arith.constant 127 : i32
      %and3A_492 = vector.broadcast %and3A_491 : i32 to vector<16xi32>
      %and3A_493 = arith.andi %add3A_487, %and3A_492 : vector<16xi32>
      tpu.vector_store_idx %arg8[%shift_right_logical3A_490, %and3A_493], %gather3A_484 : memref<128x128xf32, #tpu.memory_space<vmem>>[vector<16xi32>, vector<16xi32>], vector<16xf32>,
      %add3A_494 = arith.constant 2 : i32
      %add3A_495 = vector.broadcast %add3A_494 : i32 to vector<16xi32>
      %add3A_496 = arith.addi %shift_left3A_464, %add3A_495 : vector<16xi32>
      %gather3A_497 = tpu.vector_load_idx %arg7[%add3A_453, %add3A_496] : memref<512x128xf32, #tpu.memory_space<vmem>>[vector<16xi32>, vector<16xi32>], vector<16xf32>,
      %add3A_498 = arith.constant 2 : i32
      %add3A_499 = vector.broadcast %add3A_498 : i32 to vector<16xi32>
      %add3A_500 = arith.addi %shift_left3A_467, %add3A_499 : vector<16xi32>
      %shift_right_logical3A_501 = arith.constant 7 : i32
      %shift_right_logical3A_502 = vector.broadcast %shift_right_logical3A_501 : i32 to vector<16xi32>
      %shift_right_logical3A_503 = arith.shrui %add3A_500, %shift_right_logical3A_502 : vector<16xi32>
      %and3A_504 = arith.constant 127 : i32
      %and3A_505 = vector.broadcast %and3A_504 : i32 to vector<16xi32>
      %and3A_506 = arith.andi %add3A_500, %and3A_505 : vector<16xi32>
      tpu.vector_store_idx %arg8[%shift_right_logical3A_503, %and3A_506], %gather3A_497 : memref<128x128xf32, #tpu.memory_space<vmem>>[vector<16xi32>, vector<16xi32>], vector<16xf32>,
      %add3A_507 = arith.constant 3 : i32
      %add3A_508 = vector.broadcast %add3A_507 : i32 to vector<16xi32>
      %add3A_509 = arith.addi %shift_left3A_464, %add3A_508 : vector<16xi32>
      %gather3A_510 = tpu.vector_load_idx %arg7[%add3A_453, %add3A_509] : memref<512x128xf32, #tpu.memory_space<vmem>>[vector<16xi32>, vector<16xi32>], vector<16xf32>,
      %add3A_511 = arith.constant 3 : i32
      %add3A_512 = vector.broadcast %add3A_511 : i32 to vector<16xi32>
      %add3A_513 = arith.addi %shift_left3A_467, %add3A_512 : vector<16xi32>
      %shift_right_logical3A_514 = arith.constant 7 : i32
      %shift_right_logical3A_515 = vector.broadcast %shift_right_logical3A_514 : i32 to vector<16xi32>
      %shift_right_logical3A_516 = arith.shrui %add3A_513, %shift_right_logical3A_515 : vector<16xi32>
      %and3A_517 = arith.constant 127 : i32
      %and3A_518 = vector.broadcast %and3A_517 : i32 to vector<16xi32>
      %and3A_519 = arith.andi %add3A_513, %and3A_518 : vector<16xi32>
      tpu.vector_store_idx %arg8[%shift_right_logical3A_516, %and3A_519], %gather3A_510 : memref<128x128xf32, #tpu.memory_space<vmem>>[vector<16xi32>, vector<16xi32>], vector<16xf32>,
      %add3A_520 = arith.constant 4 : i32
      %add3A_521 = vector.broadcast %add3A_520 : i32 to vector<16xi32>
      %add3A_522 = arith.addi %shift_left3A_464, %add3A_521 : vector<16xi32>
      %gather3A_523 = tpu.vector_load_idx %arg7[%add3A_453, %add3A_522] : memref<512x128xf32, #tpu.memory_space<vmem>>[vector<16xi32>, vector<16xi32>], vector<16xf32>,
      %add3A_524 = arith.constant 4 : i32
      %add3A_525 = vector.broadcast %add3A_524 : i32 to vector<16xi32>
      %add3A_526 = arith.addi %shift_left3A_467, %add3A_525 : vector<16xi32>
      %shift_right_logical3A_527 = arith.constant 7 : i32
      %shift_right_logical3A_528 = vector.broadcast %shift_right_logical3A_527 : i32 to vector<16xi32>
      %shift_right_logical3A_529 = arith.shrui %add3A_526, %shift_right_logical3A_528 : vector<16xi32>
      %and3A_530 = arith.constant 127 : i32
      %and3A_531 = vector.broadcast %and3A_530 : i32 to vector<16xi32>
      %and3A_532 = arith.andi %add3A_526, %and3A_531 : vector<16xi32>
      tpu.vector_store_idx %arg8[%shift_right_logical3A_529, %and3A_532], %gather3A_523 : memref<128x128xf32, #tpu.memory_space<vmem>>[vector<16xi32>, vector<16xi32>], vector<16xf32>,
      %add3A_533 = arith.constant 5 : i32
      %add3A_534 = vector.broadcast %add3A_533 : i32 to vector<16xi32>
      %add3A_535 = arith.addi %shift_left3A_464, %add3A_534 : vector<16xi32>
      %gather3A_536 = tpu.vector_load_idx %arg7[%add3A_453, %add3A_535] : memref<512x128xf32, #tpu.memory_space<vmem>>[vector<16xi32>, vector<16xi32>], vector<16xf32>,
      %add3A_537 = arith.constant 5 : i32
      %add3A_538 = vector.broadcast %add3A_537 : i32 to vector<16xi32>
      %add3A_539 = arith.addi %shift_left3A_467, %add3A_538 : vector<16xi32>
      %shift_right_logical3A_540 = arith.constant 7 : i32
      %shift_right_logical3A_541 = vector.broadcast %shift_right_logical3A_540 : i32 to vector<16xi32>
      %shift_right_logical3A_542 = arith.shrui %add3A_539, %shift_right_logical3A_541 : vector<16xi32>
      %and3A_543 = arith.constant 127 : i32
      %and3A_544 = vector.broadcast %and3A_543 : i32 to vector<16xi32>
      %and3A_545 = arith.andi %add3A_539, %and3A_544 : vector<16xi32>
      tpu.vector_store_idx %arg8[%shift_right_logical3A_542, %and3A_545], %gather3A_536 : memref<128x128xf32, #tpu.memory_space<vmem>>[vector<16xi32>, vector<16xi32>], vector<16xf32>,
      %add3A_546 = arith.constant 6 : i32
      %add3A_547 = vector.broadcast %add3A_546 : i32 to vector<16xi32>
      %add3A_548 = arith.addi %shift_left3A_464, %add3A_547 : vector<16xi32>
      %gather3A_549 = tpu.vector_load_idx %arg7[%add3A_453, %add3A_548] : memref<512x128xf32, #tpu.memory_space<vmem>>[vector<16xi32>, vector<16xi32>], vector<16xf32>,
      %add3A_550 = arith.constant 6 : i32
      %add3A_551 = vector.broadcast %add3A_550 : i32 to vector<16xi32>
      %add3A_552 = arith.addi %shift_left3A_467, %add3A_551 : vector<16xi32>
      %shift_right_logical3A_553 = arith.constant 7 : i32
      %shift_right_logical3A_554 = vector.broadcast %shift_right_logical3A_553 : i32 to vector<16xi32>
      %shift_right_logical3A_555 = arith.shrui %add3A_552, %shift_right_logical3A_554 : vector<16xi32>
      %and3A_556 = arith.constant 127 : i32
      %and3A_557 = vector.broadcast %and3A_556 : i32 to vector<16xi32>
      %and3A_558 = arith.andi %add3A_552, %and3A_557 : vector<16xi32>
      tpu.vector_store_idx %arg8[%shift_right_logical3A_555, %and3A_558], %gather3A_549 : memref<128x128xf32, #tpu.memory_space<vmem>>[vector<16xi32>, vector<16xi32>], vector<16xf32>,
      %add3A_559 = arith.constant 7 : i32
      %add3A_560 = vector.broadcast %add3A_559 : i32 to vector<16xi32>
      %add3A_561 = arith.addi %shift_left3A_464, %add3A_560 : vector<16xi32>
      %gather3A_562 = tpu.vector_load_idx %arg7[%add3A_453, %add3A_561] : memref<512x128xf32, #tpu.memory_space<vmem>>[vector<16xi32>, vector<16xi32>], vector<16xf32>,
      %add3A_563 = arith.constant 7 : i32
      %add3A_564 = vector.broadcast %add3A_563 : i32 to vector<16xi32>
      %add3A_565 = arith.addi %shift_left3A_467, %add3A_564 : vector<16xi32>
      %shift_right_logical3A_566 = arith.constant 7 : i32
      %shift_right_logical3A_567 = vector.broadcast %shift_right_logical3A_566 : i32 to vector<16xi32>
      %shift_right_logical3A_568 = arith.shrui %add3A_565, %shift_right_logical3A_567 : vector<16xi32>
      %and3A_569 = arith.constant 127 : i32
      %and3A_570 = vector.broadcast %and3A_569 : i32 to vector<16xi32>
      %and3A_571 = arith.andi %add3A_565, %and3A_570 : vector<16xi32>
      tpu.vector_store_idx %arg8[%shift_right_logical3A_568, %and3A_571], %gather3A_562 : memref<128x128xf32, #tpu.memory_space<vmem>>[vector<16xi32>, vector<16xi32>], vector<16xf32>,
      %add3A_572 = arith.constant 8 : i32
      %add3A_573 = vector.broadcast %add3A_572 : i32 to vector<16xi32>
      %add3A_574 = arith.addi %shift_left3A_464, %add3A_573 : vector<16xi32>
      %gather3A_575 = tpu.vector_load_idx %arg7[%add3A_453, %add3A_574] : memref<512x128xf32, #tpu.memory_space<vmem>>[vector<16xi32>, vector<16xi32>], vector<16xf32>,
      %add3A_576 = arith.constant 8 : i32
      %add3A_577 = vector.broadcast %add3A_576 : i32 to vector<16xi32>
      %add3A_578 = arith.addi %shift_left3A_467, %add3A_577 : vector<16xi32>
      %shift_right_logical3A_579 = arith.constant 7 : i32
      %shift_right_logical3A_580 = vector.broadcast %shift_right_logical3A_579 : i32 to vector<16xi32>
      %shift_right_logical3A_581 = arith.shrui %add3A_578, %shift_right_logical3A_580 : vector<16xi32>
      %and3A_582 = arith.constant 127 : i32
      %and3A_583 = vector.broadcast %and3A_582 : i32 to vector<16xi32>
      %and3A_584 = arith.andi %add3A_578, %and3A_583 : vector<16xi32>
      tpu.vector_store_idx %arg8[%shift_right_logical3A_581, %and3A_584], %gather3A_575 : memref<128x128xf32, #tpu.memory_space<vmem>>[vector<16xi32>, vector<16xi32>], vector<16xf32>,
      %add3A_585 = arith.constant 9 : i32
      %add3A_586 = vector.broadcast %add3A_585 : i32 to vector<16xi32>
      %add3A_587 = arith.addi %shift_left3A_464, %add3A_586 : vector<16xi32>
      %gather3A_588 = tpu.vector_load_idx %arg7[%add3A_453, %add3A_587] : memref<512x128xf32, #tpu.memory_space<vmem>>[vector<16xi32>, vector<16xi32>], vector<16xf32>,
      %add3A_589 = arith.constant 9 : i32
      %add3A_590 = vector.broadcast %add3A_589 : i32 to vector<16xi32>
      %add3A_591 = arith.addi %shift_left3A_467, %add3A_590 : vector<16xi32>
      %shift_right_logical3A_592 = arith.constant 7 : i32
      %shift_right_logical3A_593 = vector.broadcast %shift_right_logical3A_592 : i32 to vector<16xi32>
      %shift_right_logical3A_594 = arith.shrui %add3A_591, %shift_right_logical3A_593 : vector<16xi32>
      %and3A_595 = arith.constant 127 : i32
      %and3A_596 = vector.broadcast %and3A_595 : i32 to vector<16xi32>
      %and3A_597 = arith.andi %add3A_591, %and3A_596 : vector<16xi32>
      tpu.vector_store_idx %arg8[%shift_right_logical3A_594, %and3A_597], %gather3A_588 : memref<128x128xf32, #tpu.memory_space<vmem>>[vector<16xi32>, vector<16xi32>], vector<16xf32>,
      %add3A_598 = arith.constant 10 : i32
      %add3A_599 = vector.broadcast %add3A_598 : i32 to vector<16xi32>
      %add3A_600 = arith.addi %shift_left3A_464, %add3A_599 : vector<16xi32>
      %gather3A_601 = tpu.vector_load_idx %arg7[%add3A_453, %add3A_600] : memref<512x128xf32, #tpu.memory_space<vmem>>[vector<16xi32>, vector<16xi32>], vector<16xf32>,
      %add3A_602 = arith.constant 10 : i32
      %add3A_603 = vector.broadcast %add3A_602 : i32 to vector<16xi32>
      %add3A_604 = arith.addi %shift_left3A_467, %add3A_603 : vector<16xi32>
      %shift_right_logical3A_605 = arith.constant 7 : i32
      %shift_right_logical3A_606 = vector.broadcast %shift_right_logical3A_605 : i32 to vector<16xi32>
      %shift_right_logical3A_607 = arith.shrui %add3A_604, %shift_right_logical3A_606 : vector<16xi32>
      %and3A_608 = arith.constant 127 : i32
      %and3A_609 = vector.broadcast %and3A_608 : i32 to vector<16xi32>
      %and3A_610 = arith.andi %add3A_604, %and3A_609 : vector<16xi32>
      tpu.vector_store_idx %arg8[%shift_right_logical3A_607, %and3A_610], %gather3A_601 : memref<128x128xf32, #tpu.memory_space<vmem>>[vector<16xi32>, vector<16xi32>], vector<16xf32>,
      %add3A_611 = arith.constant 11 : i32
      %add3A_612 = vector.broadcast %add3A_611 : i32 to vector<16xi32>
      %add3A_613 = arith.addi %shift_left3A_464, %add3A_612 : vector<16xi32>
      %gather3A_614 = tpu.vector_load_idx %arg7[%add3A_453, %add3A_613] : memref<512x128xf32, #tpu.memory_space<vmem>>[vector<16xi32>, vector<16xi32>], vector<16xf32>,
      %add3A_615 = arith.constant 11 : i32
      %add3A_616 = vector.broadcast %add3A_615 : i32 to vector<16xi32>
      %add3A_617 = arith.addi %shift_left3A_467, %add3A_616 : vector<16xi32>
      %shift_right_logical3A_618 = arith.constant 7 : i32
      %shift_right_logical3A_619 = vector.broadcast %shift_right_logical3A_618 : i32 to vector<16xi32>
      %shift_right_logical3A_620 = arith.shrui %add3A_617, %shift_right_logical3A_619 : vector<16xi32>
      %and3A_621 = arith.constant 127 : i32
      %and3A_622 = vector.broadcast %and3A_621 : i32 to vector<16xi32>
      %and3A_623 = arith.andi %add3A_617, %and3A_622 : vector<16xi32>
      tpu.vector_store_idx %arg8[%shift_right_logical3A_620, %and3A_623], %gather3A_614 : memref<128x128xf32, #tpu.memory_space<vmem>>[vector<16xi32>, vector<16xi32>], vector<16xf32>,
      %add3A_624 = arith.constant 12 : i32
      %add3A_625 = vector.broadcast %add3A_624 : i32 to vector<16xi32>
      %add3A_626 = arith.addi %shift_left3A_464, %add3A_625 : vector<16xi32>
      %gather3A_627 = tpu.vector_load_idx %arg7[%add3A_453, %add3A_626] : memref<512x128xf32, #tpu.memory_space<vmem>>[vector<16xi32>, vector<16xi32>], vector<16xf32>,
      %add3A_628 = arith.constant 12 : i32
      %add3A_629 = vector.broadcast %add3A_628 : i32 to vector<16xi32>
      %add3A_630 = arith.addi %shift_left3A_467, %add3A_629 : vector<16xi32>
      %shift_right_logical3A_631 = arith.constant 7 : i32
      %shift_right_logical3A_632 = vector.broadcast %shift_right_logical3A_631 : i32 to vector<16xi32>
      %shift_right_logical3A_633 = arith.shrui %add3A_630, %shift_right_logical3A_632 : vector<16xi32>
      %and3A_634 = arith.constant 127 : i32
      %and3A_635 = vector.broadcast %and3A_634 : i32 to vector<16xi32>
      %and3A_636 = arith.andi %add3A_630, %and3A_635 : vector<16xi32>
      tpu.vector_store_idx %arg8[%shift_right_logical3A_633, %and3A_636], %gather3A_627 : memref<128x128xf32, #tpu.memory_space<vmem>>[vector<16xi32>, vector<16xi32>], vector<16xf32>,
      %add3A_637 = arith.constant 13 : i32
      %add3A_638 = vector.broadcast %add3A_637 : i32 to vector<16xi32>
      %add3A_639 = arith.addi %shift_left3A_464, %add3A_638 : vector<16xi32>
      %gather3A_640 = tpu.vector_load_idx %arg7[%add3A_453, %add3A_639] : memref<512x128xf32, #tpu.memory_space<vmem>>[vector<16xi32>, vector<16xi32>], vector<16xf32>,
      %add3A_641 = arith.constant 13 : i32
      %add3A_642 = vector.broadcast %add3A_641 : i32 to vector<16xi32>
      %add3A_643 = arith.addi %shift_left3A_467, %add3A_642 : vector<16xi32>
      %shift_right_logical3A_644 = arith.constant 7 : i32
      %shift_right_logical3A_645 = vector.broadcast %shift_right_logical3A_644 : i32 to vector<16xi32>
      %shift_right_logical3A_646 = arith.shrui %add3A_643, %shift_right_logical3A_645 : vector<16xi32>
      %and3A_647 = arith.constant 127 : i32
      %and3A_648 = vector.broadcast %and3A_647 : i32 to vector<16xi32>
      %and3A_649 = arith.andi %add3A_643, %and3A_648 : vector<16xi32>
      tpu.vector_store_idx %arg8[%shift_right_logical3A_646, %and3A_649], %gather3A_640 : memref<128x128xf32, #tpu.memory_space<vmem>>[vector<16xi32>, vector<16xi32>], vector<16xf32>,
      %add3A_650 = arith.constant 14 : i32
      %add3A_651 = vector.broadcast %add3A_650 : i32 to vector<16xi32>
      %add3A_652 = arith.addi %shift_left3A_464, %add3A_651 : vector<16xi32>
      %gather3A_653 = tpu.vector_load_idx %arg7[%add3A_453, %add3A_652] : memref<512x128xf32, #tpu.memory_space<vmem>>[vector<16xi32>, vector<16xi32>], vector<16xf32>,
      %add3A_654 = arith.constant 14 : i32
      %add3A_655 = vector.broadcast %add3A_654 : i32 to vector<16xi32>
      %add3A_656 = arith.addi %shift_left3A_467, %add3A_655 : vector<16xi32>
      %shift_right_logical3A_657 = arith.constant 7 : i32
      %shift_right_logical3A_658 = vector.broadcast %shift_right_logical3A_657 : i32 to vector<16xi32>
      %shift_right_logical3A_659 = arith.shrui %add3A_656, %shift_right_logical3A_658 : vector<16xi32>
      %and3A_660 = arith.constant 127 : i32
      %and3A_661 = vector.broadcast %and3A_660 : i32 to vector<16xi32>
      %and3A_662 = arith.andi %add3A_656, %and3A_661 : vector<16xi32>
      tpu.vector_store_idx %arg8[%shift_right_logical3A_659, %and3A_662], %gather3A_653 : memref<128x128xf32, #tpu.memory_space<vmem>>[vector<16xi32>, vector<16xi32>], vector<16xf32>,
      %add3A_663 = arith.constant 15 : i32
      %add3A_664 = vector.broadcast %add3A_663 : i32 to vector<16xi32>
      %add3A_665 = arith.addi %shift_left3A_464, %add3A_664 : vector<16xi32>
      %gather3A_666 = tpu.vector_load_idx %arg7[%add3A_453, %add3A_665] : memref<512x128xf32, #tpu.memory_space<vmem>>[vector<16xi32>, vector<16xi32>], vector<16xf32>,
      %add3A_667 = arith.constant 15 : i32
      %add3A_668 = vector.broadcast %add3A_667 : i32 to vector<16xi32>
      %add3A_669 = arith.addi %shift_left3A_467, %add3A_668 : vector<16xi32>
      %shift_right_logical3A_670 = arith.constant 7 : i32
      %shift_right_logical3A_671 = vector.broadcast %shift_right_logical3A_670 : i32 to vector<16xi32>
      %shift_right_logical3A_672 = arith.shrui %add3A_669, %shift_right_logical3A_671 : vector<16xi32>
      %and3A_673 = arith.constant 127 : i32
      %and3A_674 = vector.broadcast %and3A_673 : i32 to vector<16xi32>
      %and3A_675 = arith.andi %add3A_669, %and3A_674 : vector<16xi32>
      tpu.vector_store_idx %arg8[%shift_right_logical3A_672, %and3A_675], %gather3A_666 : memref<128x128xf32, #tpu.memory_space<vmem>>[vector<16xi32>, vector<16xi32>], vector<16xf32>,
      %add3A_676 = arith.constant 16 : i32
      %add3A_677 = vector.broadcast %add3A_676 : i32 to vector<16xi32>
      %add3A_678 = arith.addi %shift_left3A_464, %add3A_677 : vector<16xi32>
      %gather3A_679 = tpu.vector_load_idx %arg7[%add3A_453, %add3A_678] : memref<512x128xf32, #tpu.memory_space<vmem>>[vector<16xi32>, vector<16xi32>], vector<16xf32>,
      %add3A_680 = arith.constant 16 : i32
      %add3A_681 = vector.broadcast %add3A_680 : i32 to vector<16xi32>
      %add3A_682 = arith.addi %shift_left3A_467, %add3A_681 : vector<16xi32>
      %shift_right_logical3A_683 = arith.constant 7 : i32
      %shift_right_logical3A_684 = vector.broadcast %shift_right_logical3A_683 : i32 to vector<16xi32>
      %shift_right_logical3A_685 = arith.shrui %add3A_682, %shift_right_logical3A_684 : vector<16xi32>
      %and3A_686 = arith.constant 127 : i32
      %and3A_687 = vector.broadcast %and3A_686 : i32 to vector<16xi32>
      %and3A_688 = arith.andi %add3A_682, %and3A_687 : vector<16xi32>
      tpu.vector_store_idx %arg8[%shift_right_logical3A_685, %and3A_688], %gather3A_679 : memref<128x128xf32, #tpu.memory_space<vmem>>[vector<16xi32>, vector<16xi32>], vector<16xf32>,
      %add3A_689 = arith.constant 17 : i32
      %add3A_690 = vector.broadcast %add3A_689 : i32 to vector<16xi32>
      %add3A_691 = arith.addi %shift_left3A_464, %add3A_690 : vector<16xi32>
      %gather3A_692 = tpu.vector_load_idx %arg7[%add3A_453, %add3A_691] : memref<512x128xf32, #tpu.memory_space<vmem>>[vector<16xi32>, vector<16xi32>], vector<16xf32>,
      %add3A_693 = arith.constant 17 : i32
      %add3A_694 = vector.broadcast %add3A_693 : i32 to vector<16xi32>
      %add3A_695 = arith.addi %shift_left3A_467, %add3A_694 : vector<16xi32>
      %shift_right_logical3A_696 = arith.constant 7 : i32
      %shift_right_logical3A_697 = vector.broadcast %shift_right_logical3A_696 : i32 to vector<16xi32>
      %shift_right_logical3A_698 = arith.shrui %add3A_695, %shift_right_logical3A_697 : vector<16xi32>
      %and3A_699 = arith.constant 127 : i32
      %and3A_700 = vector.broadcast %and3A_699 : i32 to vector<16xi32>
      %and3A_701 = arith.andi %add3A_695, %and3A_700 : vector<16xi32>
      tpu.vector_store_idx %arg8[%shift_right_logical3A_698, %and3A_701], %gather3A_692 : memref<128x128xf32, #tpu.memory_space<vmem>>[vector<16xi32>, vector<16xi32>], vector<16xf32>,
      %add3A_702 = arith.constant 18 : i32
      %add3A_703 = vector.broadcast %add3A_702 : i32 to vector<16xi32>
      %add3A_704 = arith.addi %shift_left3A_464, %add3A_703 : vector<16xi32>
      %gather3A_705 = tpu.vector_load_idx %arg7[%add3A_453, %add3A_704] : memref<512x128xf32, #tpu.memory_space<vmem>>[vector<16xi32>, vector<16xi32>], vector<16xf32>,
      %add3A_706 = arith.constant 18 : i32
      %add3A_707 = vector.broadcast %add3A_706 : i32 to vector<16xi32>
      %add3A_708 = arith.addi %shift_left3A_467, %add3A_707 : vector<16xi32>
      %shift_right_logical3A_709 = arith.constant 7 : i32
      %shift_right_logical3A_710 = vector.broadcast %shift_right_logical3A_709 : i32 to vector<16xi32>
      %shift_right_logical3A_711 = arith.shrui %add3A_708, %shift_right_logical3A_710 : vector<16xi32>
      %and3A_712 = arith.constant 127 : i32
      %and3A_713 = vector.broadcast %and3A_712 : i32 to vector<16xi32>
      %and3A_714 = arith.andi %add3A_708, %and3A_713 : vector<16xi32>
      tpu.vector_store_idx %arg8[%shift_right_logical3A_711, %and3A_714], %gather3A_705 : memref<128x128xf32, #tpu.memory_space<vmem>>[vector<16xi32>, vector<16xi32>], vector<16xf32>,
      %add3A_715 = arith.constant 19 : i32
      %add3A_716 = vector.broadcast %add3A_715 : i32 to vector<16xi32>
      %add3A_717 = arith.addi %shift_left3A_464, %add3A_716 : vector<16xi32>
      %gather3A_718 = tpu.vector_load_idx %arg7[%add3A_453, %add3A_717] : memref<512x128xf32, #tpu.memory_space<vmem>>[vector<16xi32>, vector<16xi32>], vector<16xf32>,
      %add3A_719 = arith.constant 19 : i32
      %add3A_720 = vector.broadcast %add3A_719 : i32 to vector<16xi32>
      %add3A_721 = arith.addi %shift_left3A_467, %add3A_720 : vector<16xi32>
      %shift_right_logical3A_722 = arith.constant 7 : i32
      %shift_right_logical3A_723 = vector.broadcast %shift_right_logical3A_722 : i32 to vector<16xi32>
      %shift_right_logical3A_724 = arith.shrui %add3A_721, %shift_right_logical3A_723 : vector<16xi32>
      %and3A_725 = arith.constant 127 : i32
      %and3A_726 = vector.broadcast %and3A_725 : i32 to vector<16xi32>
      %and3A_727 = arith.andi %add3A_721, %and3A_726 : vector<16xi32>
      tpu.vector_store_idx %arg8[%shift_right_logical3A_724, %and3A_727], %gather3A_718 : memref<128x128xf32, #tpu.memory_space<vmem>>[vector<16xi32>, vector<16xi32>], vector<16xf32>,
      %add3A_728 = arith.constant 20 : i32
      %add3A_729 = vector.broadcast %add3A_728 : i32 to vector<16xi32>
      %add3A_730 = arith.addi %shift_left3A_464, %add3A_729 : vector<16xi32>
      %gather3A_731 = tpu.vector_load_idx %arg7[%add3A_453, %add3A_730] : memref<512x128xf32, #tpu.memory_space<vmem>>[vector<16xi32>, vector<16xi32>], vector<16xf32>,
      %add3A_732 = arith.constant 20 : i32
      %add3A_733 = vector.broadcast %add3A_732 : i32 to vector<16xi32>
      %add3A_734 = arith.addi %shift_left3A_467, %add3A_733 : vector<16xi32>
      %shift_right_logical3A_735 = arith.constant 7 : i32
      %shift_right_logical3A_736 = vector.broadcast %shift_right_logical3A_735 : i32 to vector<16xi32>
      %shift_right_logical3A_737 = arith.shrui %add3A_734, %shift_right_logical3A_736 : vector<16xi32>
      %and3A_738 = arith.constant 127 : i32
      %and3A_739 = vector.broadcast %and3A_738 : i32 to vector<16xi32>
      %and3A_740 = arith.andi %add3A_734, %and3A_739 : vector<16xi32>
      tpu.vector_store_idx %arg8[%shift_right_logical3A_737, %and3A_740], %gather3A_731 : memref<128x128xf32, #tpu.memory_space<vmem>>[vector<16xi32>, vector<16xi32>], vector<16xf32>,
      %add3A_741 = arith.constant 21 : i32
      %add3A_742 = vector.broadcast %add3A_741 : i32 to vector<16xi32>
      %add3A_743 = arith.addi %shift_left3A_464, %add3A_742 : vector<16xi32>
      %gather3A_744 = tpu.vector_load_idx %arg7[%add3A_453, %add3A_743] : memref<512x128xf32, #tpu.memory_space<vmem>>[vector<16xi32>, vector<16xi32>], vector<16xf32>,
      %add3A_745 = arith.constant 21 : i32
      %add3A_746 = vector.broadcast %add3A_745 : i32 to vector<16xi32>
      %add3A_747 = arith.addi %shift_left3A_467, %add3A_746 : vector<16xi32>
      %shift_right_logical3A_748 = arith.constant 7 : i32
      %shift_right_logical3A_749 = vector.broadcast %shift_right_logical3A_748 : i32 to vector<16xi32>
      %shift_right_logical3A_750 = arith.shrui %add3A_747, %shift_right_logical3A_749 : vector<16xi32>
      %and3A_751 = arith.constant 127 : i32
      %and3A_752 = vector.broadcast %and3A_751 : i32 to vector<16xi32>
      %and3A_753 = arith.andi %add3A_747, %and3A_752 : vector<16xi32>
      tpu.vector_store_idx %arg8[%shift_right_logical3A_750, %and3A_753], %gather3A_744 : memref<128x128xf32, #tpu.memory_space<vmem>>[vector<16xi32>, vector<16xi32>], vector<16xf32>,
      %add3A_754 = arith.constant 22 : i32
      %add3A_755 = vector.broadcast %add3A_754 : i32 to vector<16xi32>
      %add3A_756 = arith.addi %shift_left3A_464, %add3A_755 : vector<16xi32>
      %gather3A_757 = tpu.vector_load_idx %arg7[%add3A_453, %add3A_756] : memref<512x128xf32, #tpu.memory_space<vmem>>[vector<16xi32>, vector<16xi32>], vector<16xf32>,
      %add3A_758 = arith.constant 22 : i32
      %add3A_759 = vector.broadcast %add3A_758 : i32 to vector<16xi32>
      %add3A_760 = arith.addi %shift_left3A_467, %add3A_759 : vector<16xi32>
      %shift_right_logical3A_761 = arith.constant 7 : i32
      %shift_right_logical3A_762 = vector.broadcast %shift_right_logical3A_761 : i32 to vector<16xi32>
      %shift_right_logical3A_763 = arith.shrui %add3A_760, %shift_right_logical3A_762 : vector<16xi32>
      %and3A_764 = arith.constant 127 : i32
      %and3A_765 = vector.broadcast %and3A_764 : i32 to vector<16xi32>
      %and3A_766 = arith.andi %add3A_760, %and3A_765 : vector<16xi32>
      tpu.vector_store_idx %arg8[%shift_right_logical3A_763, %and3A_766], %gather3A_757 : memref<128x128xf32, #tpu.memory_space<vmem>>[vector<16xi32>, vector<16xi32>], vector<16xf32>,
      %add3A_767 = arith.constant 23 : i32
      %add3A_768 = vector.broadcast %add3A_767 : i32 to vector<16xi32>
      %add3A_769 = arith.addi %shift_left3A_464, %add3A_768 : vector<16xi32>
      %gather3A_770 = tpu.vector_load_idx %arg7[%add3A_453, %add3A_769] : memref<512x128xf32, #tpu.memory_space<vmem>>[vector<16xi32>, vector<16xi32>], vector<16xf32>,
      %add3A_771 = arith.constant 23 : i32
      %add3A_772 = vector.broadcast %add3A_771 : i32 to vector<16xi32>
      %add3A_773 = arith.addi %shift_left3A_467, %add3A_772 : vector<16xi32>
      %shift_right_logical3A_774 = arith.constant 7 : i32
      %shift_right_logical3A_775 = vector.broadcast %shift_right_logical3A_774 : i32 to vector<16xi32>
      %shift_right_logical3A_776 = arith.shrui %add3A_773, %shift_right_logical3A_775 : vector<16xi32>
      %and3A_777 = arith.constant 127 : i32
      %and3A_778 = vector.broadcast %and3A_777 : i32 to vector<16xi32>
      %and3A_779 = arith.andi %add3A_773, %and3A_778 : vector<16xi32>
      tpu.vector_store_idx %arg8[%shift_right_logical3A_776, %and3A_779], %gather3A_770 : memref<128x128xf32, #tpu.memory_space<vmem>>[vector<16xi32>, vector<16xi32>], vector<16xf32>,
      %add3A_780 = arith.constant 24 : i32
      %add3A_781 = vector.broadcast %add3A_780 : i32 to vector<16xi32>
      %add3A_782 = arith.addi %shift_left3A_464, %add3A_781 : vector<16xi32>
      %gather3A_783 = tpu.vector_load_idx %arg7[%add3A_453, %add3A_782] : memref<512x128xf32, #tpu.memory_space<vmem>>[vector<16xi32>, vector<16xi32>], vector<16xf32>,
      %add3A_784 = arith.constant 24 : i32
      %add3A_785 = vector.broadcast %add3A_784 : i32 to vector<16xi32>
      %add3A_786 = arith.addi %shift_left3A_467, %add3A_785 : vector<16xi32>
      %shift_right_logical3A_787 = arith.constant 7 : i32
      %shift_right_logical3A_788 = vector.broadcast %shift_right_logical3A_787 : i32 to vector<16xi32>
      %shift_right_logical3A_789 = arith.shrui %add3A_786, %shift_right_logical3A_788 : vector<16xi32>
      %and3A_790 = arith.constant 127 : i32
      %and3A_791 = vector.broadcast %and3A_790 : i32 to vector<16xi32>
      %and3A_792 = arith.andi %add3A_786, %and3A_791 : vector<16xi32>
      tpu.vector_store_idx %arg8[%shift_right_logical3A_789, %and3A_792], %gather3A_783 : memref<128x128xf32, #tpu.memory_space<vmem>>[vector<16xi32>, vector<16xi32>], vector<16xf32>,
      %add3A_793 = arith.constant 25 : i32
      %add3A_794 = vector.broadcast %add3A_793 : i32 to vector<16xi32>
      %add3A_795 = arith.addi %shift_left3A_464, %add3A_794 : vector<16xi32>
      %gather3A_796 = tpu.vector_load_idx %arg7[%add3A_453, %add3A_795] : memref<512x128xf32, #tpu.memory_space<vmem>>[vector<16xi32>, vector<16xi32>], vector<16xf32>,
      %add3A_797 = arith.constant 25 : i32
      %add3A_798 = vector.broadcast %add3A_797 : i32 to vector<16xi32>
      %add3A_799 = arith.addi %shift_left3A_467, %add3A_798 : vector<16xi32>
      %shift_right_logical3A_800 = arith.constant 7 : i32
      %shift_right_logical3A_801 = vector.broadcast %shift_right_logical3A_800 : i32 to vector<16xi32>
      %shift_right_logical3A_802 = arith.shrui %add3A_799, %shift_right_logical3A_801 : vector<16xi32>
      %and3A_803 = arith.constant 127 : i32
      %and3A_804 = vector.broadcast %and3A_803 : i32 to vector<16xi32>
      %and3A_805 = arith.andi %add3A_799, %and3A_804 : vector<16xi32>
      tpu.vector_store_idx %arg8[%shift_right_logical3A_802, %and3A_805], %gather3A_796 : memref<128x128xf32, #tpu.memory_space<vmem>>[vector<16xi32>, vector<16xi32>], vector<16xf32>,
      %add3A_806 = arith.constant 26 : i32
      %add3A_807 = vector.broadcast %add3A_806 : i32 to vector<16xi32>
      %add3A_808 = arith.addi %shift_left3A_464, %add3A_807 : vector<16xi32>
      %gather3A_809 = tpu.vector_load_idx %arg7[%add3A_453, %add3A_808] : memref<512x128xf32, #tpu.memory_space<vmem>>[vector<16xi32>, vector<16xi32>], vector<16xf32>,
      %add3A_810 = arith.constant 26 : i32
      %add3A_811 = vector.broadcast %add3A_810 : i32 to vector<16xi32>
      %add3A_812 = arith.addi %shift_left3A_467, %add3A_811 : vector<16xi32>
      %shift_right_logical3A_813 = arith.constant 7 : i32
      %shift_right_logical3A_814 = vector.broadcast %shift_right_logical3A_813 : i32 to vector<16xi32>
      %shift_right_logical3A_815 = arith.shrui %add3A_812, %shift_right_logical3A_814 : vector<16xi32>
      %and3A_816 = arith.constant 127 : i32
      %and3A_817 = vector.broadcast %and3A_816 : i32 to vector<16xi32>
      %and3A_818 = arith.andi %add3A_812, %and3A_817 : vector<16xi32>
      tpu.vector_store_idx %arg8[%shift_right_logical3A_815, %and3A_818], %gather3A_809 : memref<128x128xf32, #tpu.memory_space<vmem>>[vector<16xi32>, vector<16xi32>], vector<16xf32>,
      %add3A_819 = arith.constant 27 : i32
      %add3A_820 = vector.broadcast %add3A_819 : i32 to vector<16xi32>
      %add3A_821 = arith.addi %shift_left3A_464, %add3A_820 : vector<16xi32>
      %gather3A_822 = tpu.vector_load_idx %arg7[%add3A_453, %add3A_821] : memref<512x128xf32, #tpu.memory_space<vmem>>[vector<16xi32>, vector<16xi32>], vector<16xf32>,
      %add3A_823 = arith.constant 27 : i32
      %add3A_824 = vector.broadcast %add3A_823 : i32 to vector<16xi32>
      %add3A_825 = arith.addi %shift_left3A_467, %add3A_824 : vector<16xi32>
      %shift_right_logical3A_826 = arith.constant 7 : i32
      %shift_right_logical3A_827 = vector.broadcast %shift_right_logical3A_826 : i32 to vector<16xi32>
      %shift_right_logical3A_828 = arith.shrui %add3A_825, %shift_right_logical3A_827 : vector<16xi32>
      %and3A_829 = arith.constant 127 : i32
      %and3A_830 = vector.broadcast %and3A_829 : i32 to vector<16xi32>
      %and3A_831 = arith.andi %add3A_825, %and3A_830 : vector<16xi32>
      tpu.vector_store_idx %arg8[%shift_right_logical3A_828, %and3A_831], %gather3A_822 : memref<128x128xf32, #tpu.memory_space<vmem>>[vector<16xi32>, vector<16xi32>], vector<16xf32>,
      %add3A_832 = arith.constant 28 : i32
      %add3A_833 = vector.broadcast %add3A_832 : i32 to vector<16xi32>
      %add3A_834 = arith.addi %shift_left3A_464, %add3A_833 : vector<16xi32>
      %gather3A_835 = tpu.vector_load_idx %arg7[%add3A_453, %add3A_834] : memref<512x128xf32, #tpu.memory_space<vmem>>[vector<16xi32>, vector<16xi32>], vector<16xf32>,
      %add3A_836 = arith.constant 28 : i32
      %add3A_837 = vector.broadcast %add3A_836 : i32 to vector<16xi32>
      %add3A_838 = arith.addi %shift_left3A_467, %add3A_837 : vector<16xi32>
      %shift_right_logical3A_839 = arith.constant 7 : i32
      %shift_right_logical3A_840 = vector.broadcast %shift_right_logical3A_839 : i32 to vector<16xi32>
      %shift_right_logical3A_841 = arith.shrui %add3A_838, %shift_right_logical3A_840 : vector<16xi32>
      %and3A_842 = arith.constant 127 : i32
      %and3A_843 = vector.broadcast %and3A_842 : i32 to vector<16xi32>
      %and3A_844 = arith.andi %add3A_838, %and3A_843 : vector<16xi32>
      tpu.vector_store_idx %arg8[%shift_right_logical3A_841, %and3A_844], %gather3A_835 : memref<128x128xf32, #tpu.memory_space<vmem>>[vector<16xi32>, vector<16xi32>], vector<16xf32>,
      %add3A_845 = arith.constant 29 : i32
      %add3A_846 = vector.broadcast %add3A_845 : i32 to vector<16xi32>
      %add3A_847 = arith.addi %shift_left3A_464, %add3A_846 : vector<16xi32>
      %gather3A_848 = tpu.vector_load_idx %arg7[%add3A_453, %add3A_847] : memref<512x128xf32, #tpu.memory_space<vmem>>[vector<16xi32>, vector<16xi32>], vector<16xf32>,
      %add3A_849 = arith.constant 29 : i32
      %add3A_850 = vector.broadcast %add3A_849 : i32 to vector<16xi32>
      %add3A_851 = arith.addi %shift_left3A_467, %add3A_850 : vector<16xi32>
      %shift_right_logical3A_852 = arith.constant 7 : i32
      %shift_right_logical3A_853 = vector.broadcast %shift_right_logical3A_852 : i32 to vector<16xi32>
      %shift_right_logical3A_854 = arith.shrui %add3A_851, %shift_right_logical3A_853 : vector<16xi32>
      %and3A_855 = arith.constant 127 : i32
      %and3A_856 = vector.broadcast %and3A_855 : i32 to vector<16xi32>
      %and3A_857 = arith.andi %add3A_851, %and3A_856 : vector<16xi32>
      tpu.vector_store_idx %arg8[%shift_right_logical3A_854, %and3A_857], %gather3A_848 : memref<128x128xf32, #tpu.memory_space<vmem>>[vector<16xi32>, vector<16xi32>], vector<16xf32>,
      %add3A_858 = arith.constant 30 : i32
      %add3A_859 = vector.broadcast %add3A_858 : i32 to vector<16xi32>
      %add3A_860 = arith.addi %shift_left3A_464, %add3A_859 : vector<16xi32>
      %gather3A_861 = tpu.vector_load_idx %arg7[%add3A_453, %add3A_860] : memref<512x128xf32, #tpu.memory_space<vmem>>[vector<16xi32>, vector<16xi32>], vector<16xf32>,
      %add3A_862 = arith.constant 30 : i32
      %add3A_863 = vector.broadcast %add3A_862 : i32 to vector<16xi32>
      %add3A_864 = arith.addi %shift_left3A_467, %add3A_863 : vector<16xi32>
      %shift_right_logical3A_865 = arith.constant 7 : i32
      %shift_right_logical3A_866 = vector.broadcast %shift_right_logical3A_865 : i32 to vector<16xi32>
      %shift_right_logical3A_867 = arith.shrui %add3A_864, %shift_right_logical3A_866 : vector<16xi32>
      %and3A_868 = arith.constant 127 : i32
      %and3A_869 = vector.broadcast %and3A_868 : i32 to vector<16xi32>
      %and3A_870 = arith.andi %add3A_864, %and3A_869 : vector<16xi32>
      tpu.vector_store_idx %arg8[%shift_right_logical3A_867, %and3A_870], %gather3A_861 : memref<128x128xf32, #tpu.memory_space<vmem>>[vector<16xi32>, vector<16xi32>], vector<16xf32>,
      %add3A_871 = arith.constant 31 : i32
      %add3A_872 = vector.broadcast %add3A_871 : i32 to vector<16xi32>
      %add3A_873 = arith.addi %shift_left3A_464, %add3A_872 : vector<16xi32>
      %gather3A_874 = tpu.vector_load_idx %arg7[%add3A_453, %add3A_873] : memref<512x128xf32, #tpu.memory_space<vmem>>[vector<16xi32>, vector<16xi32>], vector<16xf32>,
      %add3A_875 = arith.constant 31 : i32
      %add3A_876 = vector.broadcast %add3A_875 : i32 to vector<16xi32>
      %add3A_877 = arith.addi %shift_left3A_467, %add3A_876 : vector<16xi32>
      %shift_right_logical3A_878 = arith.constant 7 : i32
      %shift_right_logical3A_879 = vector.broadcast %shift_right_logical3A_878 : i32 to vector<16xi32>
      %shift_right_logical3A_880 = arith.shrui %add3A_877, %shift_right_logical3A_879 : vector<16xi32>
      %and3A_881 = arith.constant 127 : i32
      %and3A_882 = vector.broadcast %and3A_881 : i32 to vector<16xi32>
      %and3A_883 = arith.andi %add3A_877, %and3A_882 : vector<16xi32>
      tpu.vector_store_idx %arg8[%shift_right_logical3A_880, %and3A_883], %gather3A_874 : memref<128x128xf32, #tpu.memory_space<vmem>>[vector<16xi32>, vector<16xi32>], vector<16xf32>,
      %scan3A_884 = arith.constant 2 : i32
      %scan3A_885 = arith.addi %scan3A_18, %scan3A_884 : i32
      %mul3A_886 = arith.constant 16 : i32
      %mul3A_887 = arith.muli %scan3A_885, %mul3A_886 : i32
      %add3A_888 = vector.broadcast %mul3A_887 : i32 to vector<16xi32>
      %add3A_889 = arith.addi %add3A_888, %iota3A : vector<16xi32>
      %get3A_890 = arith.index_cast %mul3A_887 : i32 to index
      %get3A_891 = tpu.vector_load %arg5[%get3A_890] {strides = array<i32>} : memref<512xi32, #tpu.memory_space<vmem>>, vector<16xi32>,
      %shift_right_logical3A_892 = arith.constant 13 : i32
      %shift_right_logical3A_893 = vector.broadcast %shift_right_logical3A_892 : i32 to vector<16xi32>
      %shift_right_logical3A_894 = arith.shrui %get3A_891, %shift_right_logical3A_893 : vector<16xi32>
      %and3A_895 = arith.constant 3 : i32
      %and3A_896 = vector.broadcast %and3A_895 : i32 to vector<16xi32>
      %and3A_897 = arith.andi %shift_right_logical3A_894, %and3A_896 : vector<16xi32>
      %shift_left3A_898 = arith.constant 5 : i32
      %shift_left3A_899 = vector.broadcast %shift_left3A_898 : i32 to vector<16xi32>
      %shift_left3A_900 = arith.shli %and3A_897, %shift_left3A_899 : vector<16xi32>
      %shift_left3A_901 = arith.constant 5 : i32
      %shift_left3A_902 = vector.broadcast %shift_left3A_901 : i32 to vector<16xi32>
      %shift_left3A_903 = arith.shli %add3A_889, %shift_left3A_902 : vector<16xi32>
      %add3A_904 = arith.constant 0 : i32
      %add3A_905 = vector.broadcast %add3A_904 : i32 to vector<16xi32>
      %add3A_906 = arith.addi %shift_left3A_900, %add3A_905 : vector<16xi32>
      %gather3A_907 = tpu.vector_load_idx %arg7[%add3A_889, %add3A_906] : memref<512x128xf32, #tpu.memory_space<vmem>>[vector<16xi32>, vector<16xi32>], vector<16xf32>,
      %add3A_908 = arith.constant 0 : i32
      %add3A_909 = vector.broadcast %add3A_908 : i32 to vector<16xi32>
      %add3A_910 = arith.addi %shift_left3A_903, %add3A_909 : vector<16xi32>
      %shift_right_logical3A_911 = arith.constant 7 : i32
      %shift_right_logical3A_912 = vector.broadcast %shift_right_logical3A_911 : i32 to vector<16xi32>
      %shift_right_logical3A_913 = arith.shrui %add3A_910, %shift_right_logical3A_912 : vector<16xi32>
      %and3A_914 = arith.constant 127 : i32
      %and3A_915 = vector.broadcast %and3A_914 : i32 to vector<16xi32>
      %and3A_916 = arith.andi %add3A_910, %and3A_915 : vector<16xi32>
      tpu.vector_store_idx %arg8[%shift_right_logical3A_913, %and3A_916], %gather3A_907 : memref<128x128xf32, #tpu.memory_space<vmem>>[vector<16xi32>, vector<16xi32>], vector<16xf32>,
      %add3A_917 = arith.constant 1 : i32
      %add3A_918 = vector.broadcast %add3A_917 : i32 to vector<16xi32>
      %add3A_919 = arith.addi %shift_left3A_900, %add3A_918 : vector<16xi32>
      %gather3A_920 = tpu.vector_load_idx %arg7[%add3A_889, %add3A_919] : memref<512x128xf32, #tpu.memory_space<vmem>>[vector<16xi32>, vector<16xi32>], vector<16xf32>,
      %add3A_921 = arith.constant 1 : i32
      %add3A_922 = vector.broadcast %add3A_921 : i32 to vector<16xi32>
      %add3A_923 = arith.addi %shift_left3A_903, %add3A_922 : vector<16xi32>
      %shift_right_logical3A_924 = arith.constant 7 : i32
      %shift_right_logical3A_925 = vector.broadcast %shift_right_logical3A_924 : i32 to vector<16xi32>
      %shift_right_logical3A_926 = arith.shrui %add3A_923, %shift_right_logical3A_925 : vector<16xi32>
      %and3A_927 = arith.constant 127 : i32
      %and3A_928 = vector.broadcast %and3A_927 : i32 to vector<16xi32>
      %and3A_929 = arith.andi %add3A_923, %and3A_928 : vector<16xi32>
      tpu.vector_store_idx %arg8[%shift_right_logical3A_926, %and3A_929], %gather3A_920 : memref<128x128xf32, #tpu.memory_space<vmem>>[vector<16xi32>, vector<16xi32>], vector<16xf32>,
      %add3A_930 = arith.constant 2 : i32
      %add3A_931 = vector.broadcast %add3A_930 : i32 to vector<16xi32>
      %add3A_932 = arith.addi %shift_left3A_900, %add3A_931 : vector<16xi32>
      %gather3A_933 = tpu.vector_load_idx %arg7[%add3A_889, %add3A_932] : memref<512x128xf32, #tpu.memory_space<vmem>>[vector<16xi32>, vector<16xi32>], vector<16xf32>,
      %add3A_934 = arith.constant 2 : i32
      %add3A_935 = vector.broadcast %add3A_934 : i32 to vector<16xi32>
      %add3A_936 = arith.addi %shift_left3A_903, %add3A_935 : vector<16xi32>
      %shift_right_logical3A_937 = arith.constant 7 : i32
      %shift_right_logical3A_938 = vector.broadcast %shift_right_logical3A_937 : i32 to vector<16xi32>
      %shift_right_logical3A_939 = arith.shrui %add3A_936, %shift_right_logical3A_938 : vector<16xi32>
      %and3A_940 = arith.constant 127 : i32
      %and3A_941 = vector.broadcast %and3A_940 : i32 to vector<16xi32>
      %and3A_942 = arith.andi %add3A_936, %and3A_941 : vector<16xi32>
      tpu.vector_store_idx %arg8[%shift_right_logical3A_939, %and3A_942], %gather3A_933 : memref<128x128xf32, #tpu.memory_space<vmem>>[vector<16xi32>, vector<16xi32>], vector<16xf32>,
      %add3A_943 = arith.constant 3 : i32
      %add3A_944 = vector.broadcast %add3A_943 : i32 to vector<16xi32>
      %add3A_945 = arith.addi %shift_left3A_900, %add3A_944 : vector<16xi32>
      %gather3A_946 = tpu.vector_load_idx %arg7[%add3A_889, %add3A_945] : memref<512x128xf32, #tpu.memory_space<vmem>>[vector<16xi32>, vector<16xi32>], vector<16xf32>,
      %add3A_947 = arith.constant 3 : i32
      %add3A_948 = vector.broadcast %add3A_947 : i32 to vector<16xi32>
      %add3A_949 = arith.addi %shift_left3A_903, %add3A_948 : vector<16xi32>
      %shift_right_logical3A_950 = arith.constant 7 : i32
      %shift_right_logical3A_951 = vector.broadcast %shift_right_logical3A_950 : i32 to vector<16xi32>
      %shift_right_logical3A_952 = arith.shrui %add3A_949, %shift_right_logical3A_951 : vector<16xi32>
      %and3A_953 = arith.constant 127 : i32
      %and3A_954 = vector.broadcast %and3A_953 : i32 to vector<16xi32>
      %and3A_955 = arith.andi %add3A_949, %and3A_954 : vector<16xi32>
      tpu.vector_store_idx %arg8[%shift_right_logical3A_952, %and3A_955], %gather3A_946 : memref<128x128xf32, #tpu.memory_space<vmem>>[vector<16xi32>, vector<16xi32>], vector<16xf32>,
      %add3A_956 = arith.constant 4 : i32
      %add3A_957 = vector.broadcast %add3A_956 : i32 to vector<16xi32>
      %add3A_958 = arith.addi %shift_left3A_900, %add3A_957 : vector<16xi32>
      %gather3A_959 = tpu.vector_load_idx %arg7[%add3A_889, %add3A_958] : memref<512x128xf32, #tpu.memory_space<vmem>>[vector<16xi32>, vector<16xi32>], vector<16xf32>,
      %add3A_960 = arith.constant 4 : i32
      %add3A_961 = vector.broadcast %add3A_960 : i32 to vector<16xi32>
      %add3A_962 = arith.addi %shift_left3A_903, %add3A_961 : vector<16xi32>
      %shift_right_logical3A_963 = arith.constant 7 : i32
      %shift_right_logical3A_964 = vector.broadcast %shift_right_logical3A_963 : i32 to vector<16xi32>
      %shift_right_logical3A_965 = arith.shrui %add3A_962, %shift_right_logical3A_964 : vector<16xi32>
      %and3A_966 = arith.constant 127 : i32
      %and3A_967 = vector.broadcast %and3A_966 : i32 to vector<16xi32>
      %and3A_968 = arith.andi %add3A_962, %and3A_967 : vector<16xi32>
      tpu.vector_store_idx %arg8[%shift_right_logical3A_965, %and3A_968], %gather3A_959 : memref<128x128xf32, #tpu.memory_space<vmem>>[vector<16xi32>, vector<16xi32>], vector<16xf32>,
      %add3A_969 = arith.constant 5 : i32
      %add3A_970 = vector.broadcast %add3A_969 : i32 to vector<16xi32>
      %add3A_971 = arith.addi %shift_left3A_900, %add3A_970 : vector<16xi32>
      %gather3A_972 = tpu.vector_load_idx %arg7[%add3A_889, %add3A_971] : memref<512x128xf32, #tpu.memory_space<vmem>>[vector<16xi32>, vector<16xi32>], vector<16xf32>,
      %add3A_973 = arith.constant 5 : i32
      %add3A_974 = vector.broadcast %add3A_973 : i32 to vector<16xi32>
      %add3A_975 = arith.addi %shift_left3A_903, %add3A_974 : vector<16xi32>
      %shift_right_logical3A_976 = arith.constant 7 : i32
      %shift_right_logical3A_977 = vector.broadcast %shift_right_logical3A_976 : i32 to vector<16xi32>
      %shift_right_logical3A_978 = arith.shrui %add3A_975, %shift_right_logical3A_977 : vector<16xi32>
      %and3A_979 = arith.constant 127 : i32
      %and3A_980 = vector.broadcast %and3A_979 : i32 to vector<16xi32>
      %and3A_981 = arith.andi %add3A_975, %and3A_980 : vector<16xi32>
      tpu.vector_store_idx %arg8[%shift_right_logical3A_978, %and3A_981], %gather3A_972 : memref<128x128xf32, #tpu.memory_space<vmem>>[vector<16xi32>, vector<16xi32>], vector<16xf32>,
      %add3A_982 = arith.constant 6 : i32
      %add3A_983 = vector.broadcast %add3A_982 : i32 to vector<16xi32>
      %add3A_984 = arith.addi %shift_left3A_900, %add3A_983 : vector<16xi32>
      %gather3A_985 = tpu.vector_load_idx %arg7[%add3A_889, %add3A_984] : memref<512x128xf32, #tpu.memory_space<vmem>>[vector<16xi32>, vector<16xi32>], vector<16xf32>,
      %add3A_986 = arith.constant 6 : i32
      %add3A_987 = vector.broadcast %add3A_986 : i32 to vector<16xi32>
      %add3A_988 = arith.addi %shift_left3A_903, %add3A_987 : vector<16xi32>
      %shift_right_logical3A_989 = arith.constant 7 : i32
      %shift_right_logical3A_990 = vector.broadcast %shift_right_logical3A_989 : i32 to vector<16xi32>
      %shift_right_logical3A_991 = arith.shrui %add3A_988, %shift_right_logical3A_990 : vector<16xi32>
      %and3A_992 = arith.constant 127 : i32
      %and3A_993 = vector.broadcast %and3A_992 : i32 to vector<16xi32>
      %and3A_994 = arith.andi %add3A_988, %and3A_993 : vector<16xi32>
      tpu.vector_store_idx %arg8[%shift_right_logical3A_991, %and3A_994], %gather3A_985 : memref<128x128xf32, #tpu.memory_space<vmem>>[vector<16xi32>, vector<16xi32>], vector<16xf32>,
      %add3A_995 = arith.constant 7 : i32
      %add3A_996 = vector.broadcast %add3A_995 : i32 to vector<16xi32>
      %add3A_997 = arith.addi %shift_left3A_900, %add3A_996 : vector<16xi32>
      %gather3A_998 = tpu.vector_load_idx %arg7[%add3A_889, %add3A_997] : memref<512x128xf32, #tpu.memory_space<vmem>>[vector<16xi32>, vector<16xi32>], vector<16xf32>,
      %add3A_999 = arith.constant 7 : i32
      %add3A_1000 = vector.broadcast %add3A_999 : i32 to vector<16xi32>
      %add3A_1001 = arith.addi %shift_left3A_903, %add3A_1000 : vector<16xi32>
      %shift_right_logical3A_1002 = arith.constant 7 : i32
      %shift_right_logical3A_1003 = vector.broadcast %shift_right_logical3A_1002 : i32 to vector<16xi32>
      %shift_right_logical3A_1004 = arith.shrui %add3A_1001, %shift_right_logical3A_1003 : vector<16xi32>
      %and3A_1005 = arith.constant 127 : i32
      %and3A_1006 = vector.broadcast %and3A_1005 : i32 to vector<16xi32>
      %and3A_1007 = arith.andi %add3A_1001, %and3A_1006 : vector<16xi32>
      tpu.vector_store_idx %arg8[%shift_right_logical3A_1004, %and3A_1007], %gather3A_998 : memref<128x128xf32, #tpu.memory_space<vmem>>[vector<16xi32>, vector<16xi32>], vector<16xf32>,
      %add3A_1008 = arith.constant 8 : i32
      %add3A_1009 = vector.broadcast %add3A_1008 : i32 to vector<16xi32>
      %add3A_1010 = arith.addi %shift_left3A_900, %add3A_1009 : vector<16xi32>
      %gather3A_1011 = tpu.vector_load_idx %arg7[%add3A_889, %add3A_1010] : memref<512x128xf32, #tpu.memory_space<vmem>>[vector<16xi32>, vector<16xi32>], vector<16xf32>,
      %add3A_1012 = arith.constant 8 : i32
      %add3A_1013 = vector.broadcast %add3A_1012 : i32 to vector<16xi32>
      %add3A_1014 = arith.addi %shift_left3A_903, %add3A_1013 : vector<16xi32>
      %shift_right_logical3A_1015 = arith.constant 7 : i32
      %shift_right_logical3A_1016 = vector.broadcast %shift_right_logical3A_1015 : i32 to vector<16xi32>
      %shift_right_logical3A_1017 = arith.shrui %add3A_1014, %shift_right_logical3A_1016 : vector<16xi32>
      %and3A_1018 = arith.constant 127 : i32
      %and3A_1019 = vector.broadcast %and3A_1018 : i32 to vector<16xi32>
      %and3A_1020 = arith.andi %add3A_1014, %and3A_1019 : vector<16xi32>
      tpu.vector_store_idx %arg8[%shift_right_logical3A_1017, %and3A_1020], %gather3A_1011 : memref<128x128xf32, #tpu.memory_space<vmem>>[vector<16xi32>, vector<16xi32>], vector<16xf32>,
      %add3A_1021 = arith.constant 9 : i32
      %add3A_1022 = vector.broadcast %add3A_1021 : i32 to vector<16xi32>
      %add3A_1023 = arith.addi %shift_left3A_900, %add3A_1022 : vector<16xi32>
      %gather3A_1024 = tpu.vector_load_idx %arg7[%add3A_889, %add3A_1023] : memref<512x128xf32, #tpu.memory_space<vmem>>[vector<16xi32>, vector<16xi32>], vector<16xf32>,
      %add3A_1025 = arith.constant 9 : i32
      %add3A_1026 = vector.broadcast %add3A_1025 : i32 to vector<16xi32>
      %add3A_1027 = arith.addi %shift_left3A_903, %add3A_1026 : vector<16xi32>
      %shift_right_logical3A_1028 = arith.constant 7 : i32
      %shift_right_logical3A_1029 = vector.broadcast %shift_right_logical3A_1028 : i32 to vector<16xi32>
      %shift_right_logical3A_1030 = arith.shrui %add3A_1027, %shift_right_logical3A_1029 : vector<16xi32>
      %and3A_1031 = arith.constant 127 : i32
      %and3A_1032 = vector.broadcast %and3A_1031 : i32 to vector<16xi32>
      %and3A_1033 = arith.andi %add3A_1027, %and3A_1032 : vector<16xi32>
      tpu.vector_store_idx %arg8[%shift_right_logical3A_1030, %and3A_1033], %gather3A_1024 : memref<128x128xf32, #tpu.memory_space<vmem>>[vector<16xi32>, vector<16xi32>], vector<16xf32>,
      %add3A_1034 = arith.constant 10 : i32
      %add3A_1035 = vector.broadcast %add3A_1034 : i32 to vector<16xi32>
      %add3A_1036 = arith.addi %shift_left3A_900, %add3A_1035 : vector<16xi32>
      %gather3A_1037 = tpu.vector_load_idx %arg7[%add3A_889, %add3A_1036] : memref<512x128xf32, #tpu.memory_space<vmem>>[vector<16xi32>, vector<16xi32>], vector<16xf32>,
      %add3A_1038 = arith.constant 10 : i32
      %add3A_1039 = vector.broadcast %add3A_1038 : i32 to vector<16xi32>
      %add3A_1040 = arith.addi %shift_left3A_903, %add3A_1039 : vector<16xi32>
      %shift_right_logical3A_1041 = arith.constant 7 : i32
      %shift_right_logical3A_1042 = vector.broadcast %shift_right_logical3A_1041 : i32 to vector<16xi32>
      %shift_right_logical3A_1043 = arith.shrui %add3A_1040, %shift_right_logical3A_1042 : vector<16xi32>
      %and3A_1044 = arith.constant 127 : i32
      %and3A_1045 = vector.broadcast %and3A_1044 : i32 to vector<16xi32>
      %and3A_1046 = arith.andi %add3A_1040, %and3A_1045 : vector<16xi32>
      tpu.vector_store_idx %arg8[%shift_right_logical3A_1043, %and3A_1046], %gather3A_1037 : memref<128x128xf32, #tpu.memory_space<vmem>>[vector<16xi32>, vector<16xi32>], vector<16xf32>,
      %add3A_1047 = arith.constant 11 : i32
      %add3A_1048 = vector.broadcast %add3A_1047 : i32 to vector<16xi32>
      %add3A_1049 = arith.addi %shift_left3A_900, %add3A_1048 : vector<16xi32>
      %gather3A_1050 = tpu.vector_load_idx %arg7[%add3A_889, %add3A_1049] : memref<512x128xf32, #tpu.memory_space<vmem>>[vector<16xi32>, vector<16xi32>], vector<16xf32>,
      %add3A_1051 = arith.constant 11 : i32
      %add3A_1052 = vector.broadcast %add3A_1051 : i32 to vector<16xi32>
      %add3A_1053 = arith.addi %shift_left3A_903, %add3A_1052 : vector<16xi32>
      %shift_right_logical3A_1054 = arith.constant 7 : i32
      %shift_right_logical3A_1055 = vector.broadcast %shift_right_logical3A_1054 : i32 to vector<16xi32>
      %shift_right_logical3A_1056 = arith.shrui %add3A_1053, %shift_right_logical3A_1055 : vector<16xi32>
      %and3A_1057 = arith.constant 127 : i32
      %and3A_1058 = vector.broadcast %and3A_1057 : i32 to vector<16xi32>
      %and3A_1059 = arith.andi %add3A_1053, %and3A_1058 : vector<16xi32>
      tpu.vector_store_idx %arg8[%shift_right_logical3A_1056, %and3A_1059], %gather3A_1050 : memref<128x128xf32, #tpu.memory_space<vmem>>[vector<16xi32>, vector<16xi32>], vector<16xf32>,
      %add3A_1060 = arith.constant 12 : i32
      %add3A_1061 = vector.broadcast %add3A_1060 : i32 to vector<16xi32>
      %add3A_1062 = arith.addi %shift_left3A_900, %add3A_1061 : vector<16xi32>
      %gather3A_1063 = tpu.vector_load_idx %arg7[%add3A_889, %add3A_1062] : memref<512x128xf32, #tpu.memory_space<vmem>>[vector<16xi32>, vector<16xi32>], vector<16xf32>,
      %add3A_1064 = arith.constant 12 : i32
      %add3A_1065 = vector.broadcast %add3A_1064 : i32 to vector<16xi32>
      %add3A_1066 = arith.addi %shift_left3A_903, %add3A_1065 : vector<16xi32>
      %shift_right_logical3A_1067 = arith.constant 7 : i32
      %shift_right_logical3A_1068 = vector.broadcast %shift_right_logical3A_1067 : i32 to vector<16xi32>
      %shift_right_logical3A_1069 = arith.shrui %add3A_1066, %shift_right_logical3A_1068 : vector<16xi32>
      %and3A_1070 = arith.constant 127 : i32
      %and3A_1071 = vector.broadcast %and3A_1070 : i32 to vector<16xi32>
      %and3A_1072 = arith.andi %add3A_1066, %and3A_1071 : vector<16xi32>
      tpu.vector_store_idx %arg8[%shift_right_logical3A_1069, %and3A_1072], %gather3A_1063 : memref<128x128xf32, #tpu.memory_space<vmem>>[vector<16xi32>, vector<16xi32>], vector<16xf32>,
      %add3A_1073 = arith.constant 13 : i32
      %add3A_1074 = vector.broadcast %add3A_1073 : i32 to vector<16xi32>
      %add3A_1075 = arith.addi %shift_left3A_900, %add3A_1074 : vector<16xi32>
      %gather3A_1076 = tpu.vector_load_idx %arg7[%add3A_889, %add3A_1075] : memref<512x128xf32, #tpu.memory_space<vmem>>[vector<16xi32>, vector<16xi32>], vector<16xf32>,
      %add3A_1077 = arith.constant 13 : i32
      %add3A_1078 = vector.broadcast %add3A_1077 : i32 to vector<16xi32>
      %add3A_1079 = arith.addi %shift_left3A_903, %add3A_1078 : vector<16xi32>
      %shift_right_logical3A_1080 = arith.constant 7 : i32
      %shift_right_logical3A_1081 = vector.broadcast %shift_right_logical3A_1080 : i32 to vector<16xi32>
      %shift_right_logical3A_1082 = arith.shrui %add3A_1079, %shift_right_logical3A_1081 : vector<16xi32>
      %and3A_1083 = arith.constant 127 : i32
      %and3A_1084 = vector.broadcast %and3A_1083 : i32 to vector<16xi32>
      %and3A_1085 = arith.andi %add3A_1079, %and3A_1084 : vector<16xi32>
      tpu.vector_store_idx %arg8[%shift_right_logical3A_1082, %and3A_1085], %gather3A_1076 : memref<128x128xf32, #tpu.memory_space<vmem>>[vector<16xi32>, vector<16xi32>], vector<16xf32>,
      %add3A_1086 = arith.constant 14 : i32
      %add3A_1087 = vector.broadcast %add3A_1086 : i32 to vector<16xi32>
      %add3A_1088 = arith.addi %shift_left3A_900, %add3A_1087 : vector<16xi32>
      %gather3A_1089 = tpu.vector_load_idx %arg7[%add3A_889, %add3A_1088] : memref<512x128xf32, #tpu.memory_space<vmem>>[vector<16xi32>, vector<16xi32>], vector<16xf32>,
      %add3A_1090 = arith.constant 14 : i32
      %add3A_1091 = vector.broadcast %add3A_1090 : i32 to vector<16xi32>
      %add3A_1092 = arith.addi %shift_left3A_903, %add3A_1091 : vector<16xi32>
      %shift_right_logical3A_1093 = arith.constant 7 : i32
      %shift_right_logical3A_1094 = vector.broadcast %shift_right_logical3A_1093 : i32 to vector<16xi32>
      %shift_right_logical3A_1095 = arith.shrui %add3A_1092, %shift_right_logical3A_1094 : vector<16xi32>
      %and3A_1096 = arith.constant 127 : i32
      %and3A_1097 = vector.broadcast %and3A_1096 : i32 to vector<16xi32>
      %and3A_1098 = arith.andi %add3A_1092, %and3A_1097 : vector<16xi32>
      tpu.vector_store_idx %arg8[%shift_right_logical3A_1095, %and3A_1098], %gather3A_1089 : memref<128x128xf32, #tpu.memory_space<vmem>>[vector<16xi32>, vector<16xi32>], vector<16xf32>,
      %add3A_1099 = arith.constant 15 : i32
      %add3A_1100 = vector.broadcast %add3A_1099 : i32 to vector<16xi32>
      %add3A_1101 = arith.addi %shift_left3A_900, %add3A_1100 : vector<16xi32>
      %gather3A_1102 = tpu.vector_load_idx %arg7[%add3A_889, %add3A_1101] : memref<512x128xf32, #tpu.memory_space<vmem>>[vector<16xi32>, vector<16xi32>], vector<16xf32>,
      %add3A_1103 = arith.constant 15 : i32
      %add3A_1104 = vector.broadcast %add3A_1103 : i32 to vector<16xi32>
      %add3A_1105 = arith.addi %shift_left3A_903, %add3A_1104 : vector<16xi32>
      %shift_right_logical3A_1106 = arith.constant 7 : i32
      %shift_right_logical3A_1107 = vector.broadcast %shift_right_logical3A_1106 : i32 to vector<16xi32>
      %shift_right_logical3A_1108 = arith.shrui %add3A_1105, %shift_right_logical3A_1107 : vector<16xi32>
      %and3A_1109 = arith.constant 127 : i32
      %and3A_1110 = vector.broadcast %and3A_1109 : i32 to vector<16xi32>
      %and3A_1111 = arith.andi %add3A_1105, %and3A_1110 : vector<16xi32>
      tpu.vector_store_idx %arg8[%shift_right_logical3A_1108, %and3A_1111], %gather3A_1102 : memref<128x128xf32, #tpu.memory_space<vmem>>[vector<16xi32>, vector<16xi32>], vector<16xf32>,
      %add3A_1112 = arith.constant 16 : i32
      %add3A_1113 = vector.broadcast %add3A_1112 : i32 to vector<16xi32>
      %add3A_1114 = arith.addi %shift_left3A_900, %add3A_1113 : vector<16xi32>
      %gather3A_1115 = tpu.vector_load_idx %arg7[%add3A_889, %add3A_1114] : memref<512x128xf32, #tpu.memory_space<vmem>>[vector<16xi32>, vector<16xi32>], vector<16xf32>,
      %add3A_1116 = arith.constant 16 : i32
      %add3A_1117 = vector.broadcast %add3A_1116 : i32 to vector<16xi32>
      %add3A_1118 = arith.addi %shift_left3A_903, %add3A_1117 : vector<16xi32>
      %shift_right_logical3A_1119 = arith.constant 7 : i32
      %shift_right_logical3A_1120 = vector.broadcast %shift_right_logical3A_1119 : i32 to vector<16xi32>
      %shift_right_logical3A_1121 = arith.shrui %add3A_1118, %shift_right_logical3A_1120 : vector<16xi32>
      %and3A_1122 = arith.constant 127 : i32
      %and3A_1123 = vector.broadcast %and3A_1122 : i32 to vector<16xi32>
      %and3A_1124 = arith.andi %add3A_1118, %and3A_1123 : vector<16xi32>
      tpu.vector_store_idx %arg8[%shift_right_logical3A_1121, %and3A_1124], %gather3A_1115 : memref<128x128xf32, #tpu.memory_space<vmem>>[vector<16xi32>, vector<16xi32>], vector<16xf32>,
      %add3A_1125 = arith.constant 17 : i32
      %add3A_1126 = vector.broadcast %add3A_1125 : i32 to vector<16xi32>
      %add3A_1127 = arith.addi %shift_left3A_900, %add3A_1126 : vector<16xi32>
      %gather3A_1128 = tpu.vector_load_idx %arg7[%add3A_889, %add3A_1127] : memref<512x128xf32, #tpu.memory_space<vmem>>[vector<16xi32>, vector<16xi32>], vector<16xf32>,
      %add3A_1129 = arith.constant 17 : i32
      %add3A_1130 = vector.broadcast %add3A_1129 : i32 to vector<16xi32>
      %add3A_1131 = arith.addi %shift_left3A_903, %add3A_1130 : vector<16xi32>
      %shift_right_logical3A_1132 = arith.constant 7 : i32
      %shift_right_logical3A_1133 = vector.broadcast %shift_right_logical3A_1132 : i32 to vector<16xi32>
      %shift_right_logical3A_1134 = arith.shrui %add3A_1131, %shift_right_logical3A_1133 : vector<16xi32>
      %and3A_1135 = arith.constant 127 : i32
      %and3A_1136 = vector.broadcast %and3A_1135 : i32 to vector<16xi32>
      %and3A_1137 = arith.andi %add3A_1131, %and3A_1136 : vector<16xi32>
      tpu.vector_store_idx %arg8[%shift_right_logical3A_1134, %and3A_1137], %gather3A_1128 : memref<128x128xf32, #tpu.memory_space<vmem>>[vector<16xi32>, vector<16xi32>], vector<16xf32>,
      %add3A_1138 = arith.constant 18 : i32
      %add3A_1139 = vector.broadcast %add3A_1138 : i32 to vector<16xi32>
      %add3A_1140 = arith.addi %shift_left3A_900, %add3A_1139 : vector<16xi32>
      %gather3A_1141 = tpu.vector_load_idx %arg7[%add3A_889, %add3A_1140] : memref<512x128xf32, #tpu.memory_space<vmem>>[vector<16xi32>, vector<16xi32>], vector<16xf32>,
      %add3A_1142 = arith.constant 18 : i32
      %add3A_1143 = vector.broadcast %add3A_1142 : i32 to vector<16xi32>
      %add3A_1144 = arith.addi %shift_left3A_903, %add3A_1143 : vector<16xi32>
      %shift_right_logical3A_1145 = arith.constant 7 : i32
      %shift_right_logical3A_1146 = vector.broadcast %shift_right_logical3A_1145 : i32 to vector<16xi32>
      %shift_right_logical3A_1147 = arith.shrui %add3A_1144, %shift_right_logical3A_1146 : vector<16xi32>
      %and3A_1148 = arith.constant 127 : i32
      %and3A_1149 = vector.broadcast %and3A_1148 : i32 to vector<16xi32>
      %and3A_1150 = arith.andi %add3A_1144, %and3A_1149 : vector<16xi32>
      tpu.vector_store_idx %arg8[%shift_right_logical3A_1147, %and3A_1150], %gather3A_1141 : memref<128x128xf32, #tpu.memory_space<vmem>>[vector<16xi32>, vector<16xi32>], vector<16xf32>,
      %add3A_1151 = arith.constant 19 : i32
      %add3A_1152 = vector.broadcast %add3A_1151 : i32 to vector<16xi32>
      %add3A_1153 = arith.addi %shift_left3A_900, %add3A_1152 : vector<16xi32>
      %gather3A_1154 = tpu.vector_load_idx %arg7[%add3A_889, %add3A_1153] : memref<512x128xf32, #tpu.memory_space<vmem>>[vector<16xi32>, vector<16xi32>], vector<16xf32>,
      %add3A_1155 = arith.constant 19 : i32
      %add3A_1156 = vector.broadcast %add3A_1155 : i32 to vector<16xi32>
      %add3A_1157 = arith.addi %shift_left3A_903, %add3A_1156 : vector<16xi32>
      %shift_right_logical3A_1158 = arith.constant 7 : i32
      %shift_right_logical3A_1159 = vector.broadcast %shift_right_logical3A_1158 : i32 to vector<16xi32>
      %shift_right_logical3A_1160 = arith.shrui %add3A_1157, %shift_right_logical3A_1159 : vector<16xi32>
      %and3A_1161 = arith.constant 127 : i32
      %and3A_1162 = vector.broadcast %and3A_1161 : i32 to vector<16xi32>
      %and3A_1163 = arith.andi %add3A_1157, %and3A_1162 : vector<16xi32>
      tpu.vector_store_idx %arg8[%shift_right_logical3A_1160, %and3A_1163], %gather3A_1154 : memref<128x128xf32, #tpu.memory_space<vmem>>[vector<16xi32>, vector<16xi32>], vector<16xf32>,
      %add3A_1164 = arith.constant 20 : i32
      %add3A_1165 = vector.broadcast %add3A_1164 : i32 to vector<16xi32>
      %add3A_1166 = arith.addi %shift_left3A_900, %add3A_1165 : vector<16xi32>
      %gather3A_1167 = tpu.vector_load_idx %arg7[%add3A_889, %add3A_1166] : memref<512x128xf32, #tpu.memory_space<vmem>>[vector<16xi32>, vector<16xi32>], vector<16xf32>,
      %add3A_1168 = arith.constant 20 : i32
      %add3A_1169 = vector.broadcast %add3A_1168 : i32 to vector<16xi32>
      %add3A_1170 = arith.addi %shift_left3A_903, %add3A_1169 : vector<16xi32>
      %shift_right_logical3A_1171 = arith.constant 7 : i32
      %shift_right_logical3A_1172 = vector.broadcast %shift_right_logical3A_1171 : i32 to vector<16xi32>
      %shift_right_logical3A_1173 = arith.shrui %add3A_1170, %shift_right_logical3A_1172 : vector<16xi32>
      %and3A_1174 = arith.constant 127 : i32
      %and3A_1175 = vector.broadcast %and3A_1174 : i32 to vector<16xi32>
      %and3A_1176 = arith.andi %add3A_1170, %and3A_1175 : vector<16xi32>
      tpu.vector_store_idx %arg8[%shift_right_logical3A_1173, %and3A_1176], %gather3A_1167 : memref<128x128xf32, #tpu.memory_space<vmem>>[vector<16xi32>, vector<16xi32>], vector<16xf32>,
      %add3A_1177 = arith.constant 21 : i32
      %add3A_1178 = vector.broadcast %add3A_1177 : i32 to vector<16xi32>
      %add3A_1179 = arith.addi %shift_left3A_900, %add3A_1178 : vector<16xi32>
      %gather3A_1180 = tpu.vector_load_idx %arg7[%add3A_889, %add3A_1179] : memref<512x128xf32, #tpu.memory_space<vmem>>[vector<16xi32>, vector<16xi32>], vector<16xf32>,
      %add3A_1181 = arith.constant 21 : i32
      %add3A_1182 = vector.broadcast %add3A_1181 : i32 to vector<16xi32>
      %add3A_1183 = arith.addi %shift_left3A_903, %add3A_1182 : vector<16xi32>
      %shift_right_logical3A_1184 = arith.constant 7 : i32
      %shift_right_logical3A_1185 = vector.broadcast %shift_right_logical3A_1184 : i32 to vector<16xi32>
      %shift_right_logical3A_1186 = arith.shrui %add3A_1183, %shift_right_logical3A_1185 : vector<16xi32>
      %and3A_1187 = arith.constant 127 : i32
      %and3A_1188 = vector.broadcast %and3A_1187 : i32 to vector<16xi32>
      %and3A_1189 = arith.andi %add3A_1183, %and3A_1188 : vector<16xi32>
      tpu.vector_store_idx %arg8[%shift_right_logical3A_1186, %and3A_1189], %gather3A_1180 : memref<128x128xf32, #tpu.memory_space<vmem>>[vector<16xi32>, vector<16xi32>], vector<16xf32>,
      %add3A_1190 = arith.constant 22 : i32
      %add3A_1191 = vector.broadcast %add3A_1190 : i32 to vector<16xi32>
      %add3A_1192 = arith.addi %shift_left3A_900, %add3A_1191 : vector<16xi32>
      %gather3A_1193 = tpu.vector_load_idx %arg7[%add3A_889, %add3A_1192] : memref<512x128xf32, #tpu.memory_space<vmem>>[vector<16xi32>, vector<16xi32>], vector<16xf32>,
      %add3A_1194 = arith.constant 22 : i32
      %add3A_1195 = vector.broadcast %add3A_1194 : i32 to vector<16xi32>
      %add3A_1196 = arith.addi %shift_left3A_903, %add3A_1195 : vector<16xi32>
      %shift_right_logical3A_1197 = arith.constant 7 : i32
      %shift_right_logical3A_1198 = vector.broadcast %shift_right_logical3A_1197 : i32 to vector<16xi32>
      %shift_right_logical3A_1199 = arith.shrui %add3A_1196, %shift_right_logical3A_1198 : vector<16xi32>
      %and3A_1200 = arith.constant 127 : i32
      %and3A_1201 = vector.broadcast %and3A_1200 : i32 to vector<16xi32>
      %and3A_1202 = arith.andi %add3A_1196, %and3A_1201 : vector<16xi32>
      tpu.vector_store_idx %arg8[%shift_right_logical3A_1199, %and3A_1202], %gather3A_1193 : memref<128x128xf32, #tpu.memory_space<vmem>>[vector<16xi32>, vector<16xi32>], vector<16xf32>,
      %add3A_1203 = arith.constant 23 : i32
      %add3A_1204 = vector.broadcast %add3A_1203 : i32 to vector<16xi32>
      %add3A_1205 = arith.addi %shift_left3A_900, %add3A_1204 : vector<16xi32>
      %gather3A_1206 = tpu.vector_load_idx %arg7[%add3A_889, %add3A_1205] : memref<512x128xf32, #tpu.memory_space<vmem>>[vector<16xi32>, vector<16xi32>], vector<16xf32>,
      %add3A_1207 = arith.constant 23 : i32
      %add3A_1208 = vector.broadcast %add3A_1207 : i32 to vector<16xi32>
      %add3A_1209 = arith.addi %shift_left3A_903, %add3A_1208 : vector<16xi32>
      %shift_right_logical3A_1210 = arith.constant 7 : i32
      %shift_right_logical3A_1211 = vector.broadcast %shift_right_logical3A_1210 : i32 to vector<16xi32>
      %shift_right_logical3A_1212 = arith.shrui %add3A_1209, %shift_right_logical3A_1211 : vector<16xi32>
      %and3A_1213 = arith.constant 127 : i32
      %and3A_1214 = vector.broadcast %and3A_1213 : i32 to vector<16xi32>
      %and3A_1215 = arith.andi %add3A_1209, %and3A_1214 : vector<16xi32>
      tpu.vector_store_idx %arg8[%shift_right_logical3A_1212, %and3A_1215], %gather3A_1206 : memref<128x128xf32, #tpu.memory_space<vmem>>[vector<16xi32>, vector<16xi32>], vector<16xf32>,
      %add3A_1216 = arith.constant 24 : i32
      %add3A_1217 = vector.broadcast %add3A_1216 : i32 to vector<16xi32>
      %add3A_1218 = arith.addi %shift_left3A_900, %add3A_1217 : vector<16xi32>
      %gather3A_1219 = tpu.vector_load_idx %arg7[%add3A_889, %add3A_1218] : memref<512x128xf32, #tpu.memory_space<vmem>>[vector<16xi32>, vector<16xi32>], vector<16xf32>,
      %add3A_1220 = arith.constant 24 : i32
      %add3A_1221 = vector.broadcast %add3A_1220 : i32 to vector<16xi32>
      %add3A_1222 = arith.addi %shift_left3A_903, %add3A_1221 : vector<16xi32>
      %shift_right_logical3A_1223 = arith.constant 7 : i32
      %shift_right_logical3A_1224 = vector.broadcast %shift_right_logical3A_1223 : i32 to vector<16xi32>
      %shift_right_logical3A_1225 = arith.shrui %add3A_1222, %shift_right_logical3A_1224 : vector<16xi32>
      %and3A_1226 = arith.constant 127 : i32
      %and3A_1227 = vector.broadcast %and3A_1226 : i32 to vector<16xi32>
      %and3A_1228 = arith.andi %add3A_1222, %and3A_1227 : vector<16xi32>
      tpu.vector_store_idx %arg8[%shift_right_logical3A_1225, %and3A_1228], %gather3A_1219 : memref<128x128xf32, #tpu.memory_space<vmem>>[vector<16xi32>, vector<16xi32>], vector<16xf32>,
      %add3A_1229 = arith.constant 25 : i32
      %add3A_1230 = vector.broadcast %add3A_1229 : i32 to vector<16xi32>
      %add3A_1231 = arith.addi %shift_left3A_900, %add3A_1230 : vector<16xi32>
      %gather3A_1232 = tpu.vector_load_idx %arg7[%add3A_889, %add3A_1231] : memref<512x128xf32, #tpu.memory_space<vmem>>[vector<16xi32>, vector<16xi32>], vector<16xf32>,
      %add3A_1233 = arith.constant 25 : i32
      %add3A_1234 = vector.broadcast %add3A_1233 : i32 to vector<16xi32>
      %add3A_1235 = arith.addi %shift_left3A_903, %add3A_1234 : vector<16xi32>
      %shift_right_logical3A_1236 = arith.constant 7 : i32
      %shift_right_logical3A_1237 = vector.broadcast %shift_right_logical3A_1236 : i32 to vector<16xi32>
      %shift_right_logical3A_1238 = arith.shrui %add3A_1235, %shift_right_logical3A_1237 : vector<16xi32>
      %and3A_1239 = arith.constant 127 : i32
      %and3A_1240 = vector.broadcast %and3A_1239 : i32 to vector<16xi32>
      %and3A_1241 = arith.andi %add3A_1235, %and3A_1240 : vector<16xi32>
      tpu.vector_store_idx %arg8[%shift_right_logical3A_1238, %and3A_1241], %gather3A_1232 : memref<128x128xf32, #tpu.memory_space<vmem>>[vector<16xi32>, vector<16xi32>], vector<16xf32>,
      %add3A_1242 = arith.constant 26 : i32
      %add3A_1243 = vector.broadcast %add3A_1242 : i32 to vector<16xi32>
      %add3A_1244 = arith.addi %shift_left3A_900, %add3A_1243 : vector<16xi32>
      %gather3A_1245 = tpu.vector_load_idx %arg7[%add3A_889, %add3A_1244] : memref<512x128xf32, #tpu.memory_space<vmem>>[vector<16xi32>, vector<16xi32>], vector<16xf32>,
      %add3A_1246 = arith.constant 26 : i32
      %add3A_1247 = vector.broadcast %add3A_1246 : i32 to vector<16xi32>
      %add3A_1248 = arith.addi %shift_left3A_903, %add3A_1247 : vector<16xi32>
      %shift_right_logical3A_1249 = arith.constant 7 : i32
      %shift_right_logical3A_1250 = vector.broadcast %shift_right_logical3A_1249 : i32 to vector<16xi32>
      %shift_right_logical3A_1251 = arith.shrui %add3A_1248, %shift_right_logical3A_1250 : vector<16xi32>
      %and3A_1252 = arith.constant 127 : i32
      %and3A_1253 = vector.broadcast %and3A_1252 : i32 to vector<16xi32>
      %and3A_1254 = arith.andi %add3A_1248, %and3A_1253 : vector<16xi32>
      tpu.vector_store_idx %arg8[%shift_right_logical3A_1251, %and3A_1254], %gather3A_1245 : memref<128x128xf32, #tpu.memory_space<vmem>>[vector<16xi32>, vector<16xi32>], vector<16xf32>,
      %add3A_1255 = arith.constant 27 : i32
      %add3A_1256 = vector.broadcast %add3A_1255 : i32 to vector<16xi32>
      %add3A_1257 = arith.addi %shift_left3A_900, %add3A_1256 : vector<16xi32>
      %gather3A_1258 = tpu.vector_load_idx %arg7[%add3A_889, %add3A_1257] : memref<512x128xf32, #tpu.memory_space<vmem>>[vector<16xi32>, vector<16xi32>], vector<16xf32>,
      %add3A_1259 = arith.constant 27 : i32
      %add3A_1260 = vector.broadcast %add3A_1259 : i32 to vector<16xi32>
      %add3A_1261 = arith.addi %shift_left3A_903, %add3A_1260 : vector<16xi32>
      %shift_right_logical3A_1262 = arith.constant 7 : i32
      %shift_right_logical3A_1263 = vector.broadcast %shift_right_logical3A_1262 : i32 to vector<16xi32>
      %shift_right_logical3A_1264 = arith.shrui %add3A_1261, %shift_right_logical3A_1263 : vector<16xi32>
      %and3A_1265 = arith.constant 127 : i32
      %and3A_1266 = vector.broadcast %and3A_1265 : i32 to vector<16xi32>
      %and3A_1267 = arith.andi %add3A_1261, %and3A_1266 : vector<16xi32>
      tpu.vector_store_idx %arg8[%shift_right_logical3A_1264, %and3A_1267], %gather3A_1258 : memref<128x128xf32, #tpu.memory_space<vmem>>[vector<16xi32>, vector<16xi32>], vector<16xf32>,
      %add3A_1268 = arith.constant 28 : i32
      %add3A_1269 = vector.broadcast %add3A_1268 : i32 to vector<16xi32>
      %add3A_1270 = arith.addi %shift_left3A_900, %add3A_1269 : vector<16xi32>
      %gather3A_1271 = tpu.vector_load_idx %arg7[%add3A_889, %add3A_1270] : memref<512x128xf32, #tpu.memory_space<vmem>>[vector<16xi32>, vector<16xi32>], vector<16xf32>,
      %add3A_1272 = arith.constant 28 : i32
      %add3A_1273 = vector.broadcast %add3A_1272 : i32 to vector<16xi32>
      %add3A_1274 = arith.addi %shift_left3A_903, %add3A_1273 : vector<16xi32>
      %shift_right_logical3A_1275 = arith.constant 7 : i32
      %shift_right_logical3A_1276 = vector.broadcast %shift_right_logical3A_1275 : i32 to vector<16xi32>
      %shift_right_logical3A_1277 = arith.shrui %add3A_1274, %shift_right_logical3A_1276 : vector<16xi32>
      %and3A_1278 = arith.constant 127 : i32
      %and3A_1279 = vector.broadcast %and3A_1278 : i32 to vector<16xi32>
      %and3A_1280 = arith.andi %add3A_1274, %and3A_1279 : vector<16xi32>
      tpu.vector_store_idx %arg8[%shift_right_logical3A_1277, %and3A_1280], %gather3A_1271 : memref<128x128xf32, #tpu.memory_space<vmem>>[vector<16xi32>, vector<16xi32>], vector<16xf32>,
      %add3A_1281 = arith.constant 29 : i32
      %add3A_1282 = vector.broadcast %add3A_1281 : i32 to vector<16xi32>
      %add3A_1283 = arith.addi %shift_left3A_900, %add3A_1282 : vector<16xi32>
      %gather3A_1284 = tpu.vector_load_idx %arg7[%add3A_889, %add3A_1283] : memref<512x128xf32, #tpu.memory_space<vmem>>[vector<16xi32>, vector<16xi32>], vector<16xf32>,
      %add3A_1285 = arith.constant 29 : i32
      %add3A_1286 = vector.broadcast %add3A_1285 : i32 to vector<16xi32>
      %add3A_1287 = arith.addi %shift_left3A_903, %add3A_1286 : vector<16xi32>
      %shift_right_logical3A_1288 = arith.constant 7 : i32
      %shift_right_logical3A_1289 = vector.broadcast %shift_right_logical3A_1288 : i32 to vector<16xi32>
      %shift_right_logical3A_1290 = arith.shrui %add3A_1287, %shift_right_logical3A_1289 : vector<16xi32>
      %and3A_1291 = arith.constant 127 : i32
      %and3A_1292 = vector.broadcast %and3A_1291 : i32 to vector<16xi32>
      %and3A_1293 = arith.andi %add3A_1287, %and3A_1292 : vector<16xi32>
      tpu.vector_store_idx %arg8[%shift_right_logical3A_1290, %and3A_1293], %gather3A_1284 : memref<128x128xf32, #tpu.memory_space<vmem>>[vector<16xi32>, vector<16xi32>], vector<16xf32>,
      %add3A_1294 = arith.constant 30 : i32
      %add3A_1295 = vector.broadcast %add3A_1294 : i32 to vector<16xi32>
      %add3A_1296 = arith.addi %shift_left3A_900, %add3A_1295 : vector<16xi32>
      %gather3A_1297 = tpu.vector_load_idx %arg7[%add3A_889, %add3A_1296] : memref<512x128xf32, #tpu.memory_space<vmem>>[vector<16xi32>, vector<16xi32>], vector<16xf32>,
      %add3A_1298 = arith.constant 30 : i32
      %add3A_1299 = vector.broadcast %add3A_1298 : i32 to vector<16xi32>
      %add3A_1300 = arith.addi %shift_left3A_903, %add3A_1299 : vector<16xi32>
      %shift_right_logical3A_1301 = arith.constant 7 : i32
      %shift_right_logical3A_1302 = vector.broadcast %shift_right_logical3A_1301 : i32 to vector<16xi32>
      %shift_right_logical3A_1303 = arith.shrui %add3A_1300, %shift_right_logical3A_1302 : vector<16xi32>
      %and3A_1304 = arith.constant 127 : i32
      %and3A_1305 = vector.broadcast %and3A_1304 : i32 to vector<16xi32>
      %and3A_1306 = arith.andi %add3A_1300, %and3A_1305 : vector<16xi32>
      tpu.vector_store_idx %arg8[%shift_right_logical3A_1303, %and3A_1306], %gather3A_1297 : memref<128x128xf32, #tpu.memory_space<vmem>>[vector<16xi32>, vector<16xi32>], vector<16xf32>,
      %add3A_1307 = arith.constant 31 : i32
      %add3A_1308 = vector.broadcast %add3A_1307 : i32 to vector<16xi32>
      %add3A_1309 = arith.addi %shift_left3A_900, %add3A_1308 : vector<16xi32>
      %gather3A_1310 = tpu.vector_load_idx %arg7[%add3A_889, %add3A_1309] : memref<512x128xf32, #tpu.memory_space<vmem>>[vector<16xi32>, vector<16xi32>], vector<16xf32>,
      %add3A_1311 = arith.constant 31 : i32
      %add3A_1312 = vector.broadcast %add3A_1311 : i32 to vector<16xi32>
      %add3A_1313 = arith.addi %shift_left3A_903, %add3A_1312 : vector<16xi32>
      %shift_right_logical3A_1314 = arith.constant 7 : i32
      %shift_right_logical3A_1315 = vector.broadcast %shift_right_logical3A_1314 : i32 to vector<16xi32>
      %shift_right_logical3A_1316 = arith.shrui %add3A_1313, %shift_right_logical3A_1315 : vector<16xi32>
      %and3A_1317 = arith.constant 127 : i32
      %and3A_1318 = vector.broadcast %and3A_1317 : i32 to vector<16xi32>
      %and3A_1319 = arith.andi %add3A_1313, %and3A_1318 : vector<16xi32>
      tpu.vector_store_idx %arg8[%shift_right_logical3A_1316, %and3A_1319], %gather3A_1310 : memref<128x128xf32, #tpu.memory_space<vmem>>[vector<16xi32>, vector<16xi32>], vector<16xf32>,
      %scan3A_1320 = arith.constant 3 : i32
      %scan3A_1321 = arith.addi %scan3A_18, %scan3A_1320 : i32
      %mul3A_1322 = arith.constant 16 : i32
      %mul3A_1323 = arith.muli %scan3A_1321, %mul3A_1322 : i32
      %add3A_1324 = vector.broadcast %mul3A_1323 : i32 to vector<16xi32>
      %add3A_1325 = arith.addi %add3A_1324, %iota3A : vector<16xi32>
      %get3A_1326 = arith.index_cast %mul3A_1323 : i32 to index
      %get3A_1327 = tpu.vector_load %arg5[%get3A_1326] {strides = array<i32>} : memref<512xi32, #tpu.memory_space<vmem>>, vector<16xi32>,
      %shift_right_logical3A_1328 = arith.constant 13 : i32
      %shift_right_logical3A_1329 = vector.broadcast %shift_right_logical3A_1328 : i32 to vector<16xi32>
      %shift_right_logical3A_1330 = arith.shrui %get3A_1327, %shift_right_logical3A_1329 : vector<16xi32>
      %and3A_1331 = arith.constant 3 : i32
      %and3A_1332 = vector.broadcast %and3A_1331 : i32 to vector<16xi32>
      %and3A_1333 = arith.andi %shift_right_logical3A_1330, %and3A_1332 : vector<16xi32>
      %shift_left3A_1334 = arith.constant 5 : i32
      %shift_left3A_1335 = vector.broadcast %shift_left3A_1334 : i32 to vector<16xi32>
      %shift_left3A_1336 = arith.shli %and3A_1333, %shift_left3A_1335 : vector<16xi32>
      %shift_left3A_1337 = arith.constant 5 : i32
      %shift_left3A_1338 = vector.broadcast %shift_left3A_1337 : i32 to vector<16xi32>
      %shift_left3A_1339 = arith.shli %add3A_1325, %shift_left3A_1338 : vector<16xi32>
      %add3A_1340 = arith.constant 0 : i32
      %add3A_1341 = vector.broadcast %add3A_1340 : i32 to vector<16xi32>
      %add3A_1342 = arith.addi %shift_left3A_1336, %add3A_1341 : vector<16xi32>
      %gather3A_1343 = tpu.vector_load_idx %arg7[%add3A_1325, %add3A_1342] : memref<512x128xf32, #tpu.memory_space<vmem>>[vector<16xi32>, vector<16xi32>], vector<16xf32>,
      %add3A_1344 = arith.constant 0 : i32
      %add3A_1345 = vector.broadcast %add3A_1344 : i32 to vector<16xi32>
      %add3A_1346 = arith.addi %shift_left3A_1339, %add3A_1345 : vector<16xi32>
      %shift_right_logical3A_1347 = arith.constant 7 : i32
      %shift_right_logical3A_1348 = vector.broadcast %shift_right_logical3A_1347 : i32 to vector<16xi32>
      %shift_right_logical3A_1349 = arith.shrui %add3A_1346, %shift_right_logical3A_1348 : vector<16xi32>
      %and3A_1350 = arith.constant 127 : i32
      %and3A_1351 = vector.broadcast %and3A_1350 : i32 to vector<16xi32>
      %and3A_1352 = arith.andi %add3A_1346, %and3A_1351 : vector<16xi32>
      tpu.vector_store_idx %arg8[%shift_right_logical3A_1349, %and3A_1352], %gather3A_1343 : memref<128x128xf32, #tpu.memory_space<vmem>>[vector<16xi32>, vector<16xi32>], vector<16xf32>,
      %add3A_1353 = arith.constant 1 : i32
      %add3A_1354 = vector.broadcast %add3A_1353 : i32 to vector<16xi32>
      %add3A_1355 = arith.addi %shift_left3A_1336, %add3A_1354 : vector<16xi32>
      %gather3A_1356 = tpu.vector_load_idx %arg7[%add3A_1325, %add3A_1355] : memref<512x128xf32, #tpu.memory_space<vmem>>[vector<16xi32>, vector<16xi32>], vector<16xf32>,
      %add3A_1357 = arith.constant 1 : i32
      %add3A_1358 = vector.broadcast %add3A_1357 : i32 to vector<16xi32>
      %add3A_1359 = arith.addi %shift_left3A_1339, %add3A_1358 : vector<16xi32>
      %shift_right_logical3A_1360 = arith.constant 7 : i32
      %shift_right_logical3A_1361 = vector.broadcast %shift_right_logical3A_1360 : i32 to vector<16xi32>
      %shift_right_logical3A_1362 = arith.shrui %add3A_1359, %shift_right_logical3A_1361 : vector<16xi32>
      %and3A_1363 = arith.constant 127 : i32
      %and3A_1364 = vector.broadcast %and3A_1363 : i32 to vector<16xi32>
      %and3A_1365 = arith.andi %add3A_1359, %and3A_1364 : vector<16xi32>
      tpu.vector_store_idx %arg8[%shift_right_logical3A_1362, %and3A_1365], %gather3A_1356 : memref<128x128xf32, #tpu.memory_space<vmem>>[vector<16xi32>, vector<16xi32>], vector<16xf32>,
      %add3A_1366 = arith.constant 2 : i32
      %add3A_1367 = vector.broadcast %add3A_1366 : i32 to vector<16xi32>
      %add3A_1368 = arith.addi %shift_left3A_1336, %add3A_1367 : vector<16xi32>
      %gather3A_1369 = tpu.vector_load_idx %arg7[%add3A_1325, %add3A_1368] : memref<512x128xf32, #tpu.memory_space<vmem>>[vector<16xi32>, vector<16xi32>], vector<16xf32>,
      %add3A_1370 = arith.constant 2 : i32
      %add3A_1371 = vector.broadcast %add3A_1370 : i32 to vector<16xi32>
      %add3A_1372 = arith.addi %shift_left3A_1339, %add3A_1371 : vector<16xi32>
      %shift_right_logical3A_1373 = arith.constant 7 : i32
      %shift_right_logical3A_1374 = vector.broadcast %shift_right_logical3A_1373 : i32 to vector<16xi32>
      %shift_right_logical3A_1375 = arith.shrui %add3A_1372, %shift_right_logical3A_1374 : vector<16xi32>
      %and3A_1376 = arith.constant 127 : i32
      %and3A_1377 = vector.broadcast %and3A_1376 : i32 to vector<16xi32>
      %and3A_1378 = arith.andi %add3A_1372, %and3A_1377 : vector<16xi32>
      tpu.vector_store_idx %arg8[%shift_right_logical3A_1375, %and3A_1378], %gather3A_1369 : memref<128x128xf32, #tpu.memory_space<vmem>>[vector<16xi32>, vector<16xi32>], vector<16xf32>,
      %add3A_1379 = arith.constant 3 : i32
      %add3A_1380 = vector.broadcast %add3A_1379 : i32 to vector<16xi32>
      %add3A_1381 = arith.addi %shift_left3A_1336, %add3A_1380 : vector<16xi32>
      %gather3A_1382 = tpu.vector_load_idx %arg7[%add3A_1325, %add3A_1381] : memref<512x128xf32, #tpu.memory_space<vmem>>[vector<16xi32>, vector<16xi32>], vector<16xf32>,
      %add3A_1383 = arith.constant 3 : i32
      %add3A_1384 = vector.broadcast %add3A_1383 : i32 to vector<16xi32>
      %add3A_1385 = arith.addi %shift_left3A_1339, %add3A_1384 : vector<16xi32>
      %shift_right_logical3A_1386 = arith.constant 7 : i32
      %shift_right_logical3A_1387 = vector.broadcast %shift_right_logical3A_1386 : i32 to vector<16xi32>
      %shift_right_logical3A_1388 = arith.shrui %add3A_1385, %shift_right_logical3A_1387 : vector<16xi32>
      %and3A_1389 = arith.constant 127 : i32
      %and3A_1390 = vector.broadcast %and3A_1389 : i32 to vector<16xi32>
      %and3A_1391 = arith.andi %add3A_1385, %and3A_1390 : vector<16xi32>
      tpu.vector_store_idx %arg8[%shift_right_logical3A_1388, %and3A_1391], %gather3A_1382 : memref<128x128xf32, #tpu.memory_space<vmem>>[vector<16xi32>, vector<16xi32>], vector<16xf32>,
      %add3A_1392 = arith.constant 4 : i32
      %add3A_1393 = vector.broadcast %add3A_1392 : i32 to vector<16xi32>
      %add3A_1394 = arith.addi %shift_left3A_1336, %add3A_1393 : vector<16xi32>
      %gather3A_1395 = tpu.vector_load_idx %arg7[%add3A_1325, %add3A_1394] : memref<512x128xf32, #tpu.memory_space<vmem>>[vector<16xi32>, vector<16xi32>], vector<16xf32>,
      %add3A_1396 = arith.constant 4 : i32
      %add3A_1397 = vector.broadcast %add3A_1396 : i32 to vector<16xi32>
      %add3A_1398 = arith.addi %shift_left3A_1339, %add3A_1397 : vector<16xi32>
      %shift_right_logical3A_1399 = arith.constant 7 : i32
      %shift_right_logical3A_1400 = vector.broadcast %shift_right_logical3A_1399 : i32 to vector<16xi32>
      %shift_right_logical3A_1401 = arith.shrui %add3A_1398, %shift_right_logical3A_1400 : vector<16xi32>
      %and3A_1402 = arith.constant 127 : i32
      %and3A_1403 = vector.broadcast %and3A_1402 : i32 to vector<16xi32>
      %and3A_1404 = arith.andi %add3A_1398, %and3A_1403 : vector<16xi32>
      tpu.vector_store_idx %arg8[%shift_right_logical3A_1401, %and3A_1404], %gather3A_1395 : memref<128x128xf32, #tpu.memory_space<vmem>>[vector<16xi32>, vector<16xi32>], vector<16xf32>,
      %add3A_1405 = arith.constant 5 : i32
      %add3A_1406 = vector.broadcast %add3A_1405 : i32 to vector<16xi32>
      %add3A_1407 = arith.addi %shift_left3A_1336, %add3A_1406 : vector<16xi32>
      %gather3A_1408 = tpu.vector_load_idx %arg7[%add3A_1325, %add3A_1407] : memref<512x128xf32, #tpu.memory_space<vmem>>[vector<16xi32>, vector<16xi32>], vector<16xf32>,
      %add3A_1409 = arith.constant 5 : i32
      %add3A_1410 = vector.broadcast %add3A_1409 : i32 to vector<16xi32>
      %add3A_1411 = arith.addi %shift_left3A_1339, %add3A_1410 : vector<16xi32>
      %shift_right_logical3A_1412 = arith.constant 7 : i32
      %shift_right_logical3A_1413 = vector.broadcast %shift_right_logical3A_1412 : i32 to vector<16xi32>
      %shift_right_logical3A_1414 = arith.shrui %add3A_1411, %shift_right_logical3A_1413 : vector<16xi32>
      %and3A_1415 = arith.constant 127 : i32
      %and3A_1416 = vector.broadcast %and3A_1415 : i32 to vector<16xi32>
      %and3A_1417 = arith.andi %add3A_1411, %and3A_1416 : vector<16xi32>
      tpu.vector_store_idx %arg8[%shift_right_logical3A_1414, %and3A_1417], %gather3A_1408 : memref<128x128xf32, #tpu.memory_space<vmem>>[vector<16xi32>, vector<16xi32>], vector<16xf32>,
      %add3A_1418 = arith.constant 6 : i32
      %add3A_1419 = vector.broadcast %add3A_1418 : i32 to vector<16xi32>
      %add3A_1420 = arith.addi %shift_left3A_1336, %add3A_1419 : vector<16xi32>
      %gather3A_1421 = tpu.vector_load_idx %arg7[%add3A_1325, %add3A_1420] : memref<512x128xf32, #tpu.memory_space<vmem>>[vector<16xi32>, vector<16xi32>], vector<16xf32>,
      %add3A_1422 = arith.constant 6 : i32
      %add3A_1423 = vector.broadcast %add3A_1422 : i32 to vector<16xi32>
      %add3A_1424 = arith.addi %shift_left3A_1339, %add3A_1423 : vector<16xi32>
      %shift_right_logical3A_1425 = arith.constant 7 : i32
      %shift_right_logical3A_1426 = vector.broadcast %shift_right_logical3A_1425 : i32 to vector<16xi32>
      %shift_right_logical3A_1427 = arith.shrui %add3A_1424, %shift_right_logical3A_1426 : vector<16xi32>
      %and3A_1428 = arith.constant 127 : i32
      %and3A_1429 = vector.broadcast %and3A_1428 : i32 to vector<16xi32>
      %and3A_1430 = arith.andi %add3A_1424, %and3A_1429 : vector<16xi32>
      tpu.vector_store_idx %arg8[%shift_right_logical3A_1427, %and3A_1430], %gather3A_1421 : memref<128x128xf32, #tpu.memory_space<vmem>>[vector<16xi32>, vector<16xi32>], vector<16xf32>,
      %add3A_1431 = arith.constant 7 : i32
      %add3A_1432 = vector.broadcast %add3A_1431 : i32 to vector<16xi32>
      %add3A_1433 = arith.addi %shift_left3A_1336, %add3A_1432 : vector<16xi32>
      %gather3A_1434 = tpu.vector_load_idx %arg7[%add3A_1325, %add3A_1433] : memref<512x128xf32, #tpu.memory_space<vmem>>[vector<16xi32>, vector<16xi32>], vector<16xf32>,
      %add3A_1435 = arith.constant 7 : i32
      %add3A_1436 = vector.broadcast %add3A_1435 : i32 to vector<16xi32>
      %add3A_1437 = arith.addi %shift_left3A_1339, %add3A_1436 : vector<16xi32>
      %shift_right_logical3A_1438 = arith.constant 7 : i32
      %shift_right_logical3A_1439 = vector.broadcast %shift_right_logical3A_1438 : i32 to vector<16xi32>
      %shift_right_logical3A_1440 = arith.shrui %add3A_1437, %shift_right_logical3A_1439 : vector<16xi32>
      %and3A_1441 = arith.constant 127 : i32
      %and3A_1442 = vector.broadcast %and3A_1441 : i32 to vector<16xi32>
      %and3A_1443 = arith.andi %add3A_1437, %and3A_1442 : vector<16xi32>
      tpu.vector_store_idx %arg8[%shift_right_logical3A_1440, %and3A_1443], %gather3A_1434 : memref<128x128xf32, #tpu.memory_space<vmem>>[vector<16xi32>, vector<16xi32>], vector<16xf32>,
      %add3A_1444 = arith.constant 8 : i32
      %add3A_1445 = vector.broadcast %add3A_1444 : i32 to vector<16xi32>
      %add3A_1446 = arith.addi %shift_left3A_1336, %add3A_1445 : vector<16xi32>
      %gather3A_1447 = tpu.vector_load_idx %arg7[%add3A_1325, %add3A_1446] : memref<512x128xf32, #tpu.memory_space<vmem>>[vector<16xi32>, vector<16xi32>], vector<16xf32>,
      %add3A_1448 = arith.constant 8 : i32
      %add3A_1449 = vector.broadcast %add3A_1448 : i32 to vector<16xi32>
      %add3A_1450 = arith.addi %shift_left3A_1339, %add3A_1449 : vector<16xi32>
      %shift_right_logical3A_1451 = arith.constant 7 : i32
      %shift_right_logical3A_1452 = vector.broadcast %shift_right_logical3A_1451 : i32 to vector<16xi32>
      %shift_right_logical3A_1453 = arith.shrui %add3A_1450, %shift_right_logical3A_1452 : vector<16xi32>
      %and3A_1454 = arith.constant 127 : i32
      %and3A_1455 = vector.broadcast %and3A_1454 : i32 to vector<16xi32>
      %and3A_1456 = arith.andi %add3A_1450, %and3A_1455 : vector<16xi32>
      tpu.vector_store_idx %arg8[%shift_right_logical3A_1453, %and3A_1456], %gather3A_1447 : memref<128x128xf32, #tpu.memory_space<vmem>>[vector<16xi32>, vector<16xi32>], vector<16xf32>,
      %add3A_1457 = arith.constant 9 : i32
      %add3A_1458 = vector.broadcast %add3A_1457 : i32 to vector<16xi32>
      %add3A_1459 = arith.addi %shift_left3A_1336, %add3A_1458 : vector<16xi32>
      %gather3A_1460 = tpu.vector_load_idx %arg7[%add3A_1325, %add3A_1459] : memref<512x128xf32, #tpu.memory_space<vmem>>[vector<16xi32>, vector<16xi32>], vector<16xf32>,
      %add3A_1461 = arith.constant 9 : i32
      %add3A_1462 = vector.broadcast %add3A_1461 : i32 to vector<16xi32>
      %add3A_1463 = arith.addi %shift_left3A_1339, %add3A_1462 : vector<16xi32>
      %shift_right_logical3A_1464 = arith.constant 7 : i32
      %shift_right_logical3A_1465 = vector.broadcast %shift_right_logical3A_1464 : i32 to vector<16xi32>
      %shift_right_logical3A_1466 = arith.shrui %add3A_1463, %shift_right_logical3A_1465 : vector<16xi32>
      %and3A_1467 = arith.constant 127 : i32
      %and3A_1468 = vector.broadcast %and3A_1467 : i32 to vector<16xi32>
      %and3A_1469 = arith.andi %add3A_1463, %and3A_1468 : vector<16xi32>
      tpu.vector_store_idx %arg8[%shift_right_logical3A_1466, %and3A_1469], %gather3A_1460 : memref<128x128xf32, #tpu.memory_space<vmem>>[vector<16xi32>, vector<16xi32>], vector<16xf32>,
      %add3A_1470 = arith.constant 10 : i32
      %add3A_1471 = vector.broadcast %add3A_1470 : i32 to vector<16xi32>
      %add3A_1472 = arith.addi %shift_left3A_1336, %add3A_1471 : vector<16xi32>
      %gather3A_1473 = tpu.vector_load_idx %arg7[%add3A_1325, %add3A_1472] : memref<512x128xf32, #tpu.memory_space<vmem>>[vector<16xi32>, vector<16xi32>], vector<16xf32>,
      %add3A_1474 = arith.constant 10 : i32
      %add3A_1475 = vector.broadcast %add3A_1474 : i32 to vector<16xi32>
      %add3A_1476 = arith.addi %shift_left3A_1339, %add3A_1475 : vector<16xi32>
      %shift_right_logical3A_1477 = arith.constant 7 : i32
      %shift_right_logical3A_1478 = vector.broadcast %shift_right_logical3A_1477 : i32 to vector<16xi32>
      %shift_right_logical3A_1479 = arith.shrui %add3A_1476, %shift_right_logical3A_1478 : vector<16xi32>
      %and3A_1480 = arith.constant 127 : i32
      %and3A_1481 = vector.broadcast %and3A_1480 : i32 to vector<16xi32>
      %and3A_1482 = arith.andi %add3A_1476, %and3A_1481 : vector<16xi32>
      tpu.vector_store_idx %arg8[%shift_right_logical3A_1479, %and3A_1482], %gather3A_1473 : memref<128x128xf32, #tpu.memory_space<vmem>>[vector<16xi32>, vector<16xi32>], vector<16xf32>,
      %add3A_1483 = arith.constant 11 : i32
      %add3A_1484 = vector.broadcast %add3A_1483 : i32 to vector<16xi32>
      %add3A_1485 = arith.addi %shift_left3A_1336, %add3A_1484 : vector<16xi32>
      %gather3A_1486 = tpu.vector_load_idx %arg7[%add3A_1325, %add3A_1485] : memref<512x128xf32, #tpu.memory_space<vmem>>[vector<16xi32>, vector<16xi32>], vector<16xf32>,
      %add3A_1487 = arith.constant 11 : i32
      %add3A_1488 = vector.broadcast %add3A_1487 : i32 to vector<16xi32>
      %add3A_1489 = arith.addi %shift_left3A_1339, %add3A_1488 : vector<16xi32>
      %shift_right_logical3A_1490 = arith.constant 7 : i32
      %shift_right_logical3A_1491 = vector.broadcast %shift_right_logical3A_1490 : i32 to vector<16xi32>
      %shift_right_logical3A_1492 = arith.shrui %add3A_1489, %shift_right_logical3A_1491 : vector<16xi32>
      %and3A_1493 = arith.constant 127 : i32
      %and3A_1494 = vector.broadcast %and3A_1493 : i32 to vector<16xi32>
      %and3A_1495 = arith.andi %add3A_1489, %and3A_1494 : vector<16xi32>
      tpu.vector_store_idx %arg8[%shift_right_logical3A_1492, %and3A_1495], %gather3A_1486 : memref<128x128xf32, #tpu.memory_space<vmem>>[vector<16xi32>, vector<16xi32>], vector<16xf32>,
      %add3A_1496 = arith.constant 12 : i32
      %add3A_1497 = vector.broadcast %add3A_1496 : i32 to vector<16xi32>
      %add3A_1498 = arith.addi %shift_left3A_1336, %add3A_1497 : vector<16xi32>
      %gather3A_1499 = tpu.vector_load_idx %arg7[%add3A_1325, %add3A_1498] : memref<512x128xf32, #tpu.memory_space<vmem>>[vector<16xi32>, vector<16xi32>], vector<16xf32>,
      %add3A_1500 = arith.constant 12 : i32
      %add3A_1501 = vector.broadcast %add3A_1500 : i32 to vector<16xi32>
      %add3A_1502 = arith.addi %shift_left3A_1339, %add3A_1501 : vector<16xi32>
      %shift_right_logical3A_1503 = arith.constant 7 : i32
      %shift_right_logical3A_1504 = vector.broadcast %shift_right_logical3A_1503 : i32 to vector<16xi32>
      %shift_right_logical3A_1505 = arith.shrui %add3A_1502, %shift_right_logical3A_1504 : vector<16xi32>
      %and3A_1506 = arith.constant 127 : i32
      %and3A_1507 = vector.broadcast %and3A_1506 : i32 to vector<16xi32>
      %and3A_1508 = arith.andi %add3A_1502, %and3A_1507 : vector<16xi32>
      tpu.vector_store_idx %arg8[%shift_right_logical3A_1505, %and3A_1508], %gather3A_1499 : memref<128x128xf32, #tpu.memory_space<vmem>>[vector<16xi32>, vector<16xi32>], vector<16xf32>,
      %add3A_1509 = arith.constant 13 : i32
      %add3A_1510 = vector.broadcast %add3A_1509 : i32 to vector<16xi32>
      %add3A_1511 = arith.addi %shift_left3A_1336, %add3A_1510 : vector<16xi32>
      %gather3A_1512 = tpu.vector_load_idx %arg7[%add3A_1325, %add3A_1511] : memref<512x128xf32, #tpu.memory_space<vmem>>[vector<16xi32>, vector<16xi32>], vector<16xf32>,
      %add3A_1513 = arith.constant 13 : i32
      %add3A_1514 = vector.broadcast %add3A_1513 : i32 to vector<16xi32>
      %add3A_1515 = arith.addi %shift_left3A_1339, %add3A_1514 : vector<16xi32>
      %shift_right_logical3A_1516 = arith.constant 7 : i32
      %shift_right_logical3A_1517 = vector.broadcast %shift_right_logical3A_1516 : i32 to vector<16xi32>
      %shift_right_logical3A_1518 = arith.shrui %add3A_1515, %shift_right_logical3A_1517 : vector<16xi32>
      %and3A_1519 = arith.constant 127 : i32
      %and3A_1520 = vector.broadcast %and3A_1519 : i32 to vector<16xi32>
      %and3A_1521 = arith.andi %add3A_1515, %and3A_1520 : vector<16xi32>
      tpu.vector_store_idx %arg8[%shift_right_logical3A_1518, %and3A_1521], %gather3A_1512 : memref<128x128xf32, #tpu.memory_space<vmem>>[vector<16xi32>, vector<16xi32>], vector<16xf32>,
      %add3A_1522 = arith.constant 14 : i32
      %add3A_1523 = vector.broadcast %add3A_1522 : i32 to vector<16xi32>
      %add3A_1524 = arith.addi %shift_left3A_1336, %add3A_1523 : vector<16xi32>
      %gather3A_1525 = tpu.vector_load_idx %arg7[%add3A_1325, %add3A_1524] : memref<512x128xf32, #tpu.memory_space<vmem>>[vector<16xi32>, vector<16xi32>], vector<16xf32>,
      %add3A_1526 = arith.constant 14 : i32
      %add3A_1527 = vector.broadcast %add3A_1526 : i32 to vector<16xi32>
      %add3A_1528 = arith.addi %shift_left3A_1339, %add3A_1527 : vector<16xi32>
      %shift_right_logical3A_1529 = arith.constant 7 : i32
      %shift_right_logical3A_1530 = vector.broadcast %shift_right_logical3A_1529 : i32 to vector<16xi32>
      %shift_right_logical3A_1531 = arith.shrui %add3A_1528, %shift_right_logical3A_1530 : vector<16xi32>
      %and3A_1532 = arith.constant 127 : i32
      %and3A_1533 = vector.broadcast %and3A_1532 : i32 to vector<16xi32>
      %and3A_1534 = arith.andi %add3A_1528, %and3A_1533 : vector<16xi32>
      tpu.vector_store_idx %arg8[%shift_right_logical3A_1531, %and3A_1534], %gather3A_1525 : memref<128x128xf32, #tpu.memory_space<vmem>>[vector<16xi32>, vector<16xi32>], vector<16xf32>,
      %add3A_1535 = arith.constant 15 : i32
      %add3A_1536 = vector.broadcast %add3A_1535 : i32 to vector<16xi32>
      %add3A_1537 = arith.addi %shift_left3A_1336, %add3A_1536 : vector<16xi32>
      %gather3A_1538 = tpu.vector_load_idx %arg7[%add3A_1325, %add3A_1537] : memref<512x128xf32, #tpu.memory_space<vmem>>[vector<16xi32>, vector<16xi32>], vector<16xf32>,
      %add3A_1539 = arith.constant 15 : i32
      %add3A_1540 = vector.broadcast %add3A_1539 : i32 to vector<16xi32>
      %add3A_1541 = arith.addi %shift_left3A_1339, %add3A_1540 : vector<16xi32>
      %shift_right_logical3A_1542 = arith.constant 7 : i32
      %shift_right_logical3A_1543 = vector.broadcast %shift_right_logical3A_1542 : i32 to vector<16xi32>
      %shift_right_logical3A_1544 = arith.shrui %add3A_1541, %shift_right_logical3A_1543 : vector<16xi32>
      %and3A_1545 = arith.constant 127 : i32
      %and3A_1546 = vector.broadcast %and3A_1545 : i32 to vector<16xi32>
      %and3A_1547 = arith.andi %add3A_1541, %and3A_1546 : vector<16xi32>
      tpu.vector_store_idx %arg8[%shift_right_logical3A_1544, %and3A_1547], %gather3A_1538 : memref<128x128xf32, #tpu.memory_space<vmem>>[vector<16xi32>, vector<16xi32>], vector<16xf32>,
      %add3A_1548 = arith.constant 16 : i32
      %add3A_1549 = vector.broadcast %add3A_1548 : i32 to vector<16xi32>
      %add3A_1550 = arith.addi %shift_left3A_1336, %add3A_1549 : vector<16xi32>
      %gather3A_1551 = tpu.vector_load_idx %arg7[%add3A_1325, %add3A_1550] : memref<512x128xf32, #tpu.memory_space<vmem>>[vector<16xi32>, vector<16xi32>], vector<16xf32>,
      %add3A_1552 = arith.constant 16 : i32
      %add3A_1553 = vector.broadcast %add3A_1552 : i32 to vector<16xi32>
      %add3A_1554 = arith.addi %shift_left3A_1339, %add3A_1553 : vector<16xi32>
      %shift_right_logical3A_1555 = arith.constant 7 : i32
      %shift_right_logical3A_1556 = vector.broadcast %shift_right_logical3A_1555 : i32 to vector<16xi32>
      %shift_right_logical3A_1557 = arith.shrui %add3A_1554, %shift_right_logical3A_1556 : vector<16xi32>
      %and3A_1558 = arith.constant 127 : i32
      %and3A_1559 = vector.broadcast %and3A_1558 : i32 to vector<16xi32>
      %and3A_1560 = arith.andi %add3A_1554, %and3A_1559 : vector<16xi32>
      tpu.vector_store_idx %arg8[%shift_right_logical3A_1557, %and3A_1560], %gather3A_1551 : memref<128x128xf32, #tpu.memory_space<vmem>>[vector<16xi32>, vector<16xi32>], vector<16xf32>,
      %add3A_1561 = arith.constant 17 : i32
      %add3A_1562 = vector.broadcast %add3A_1561 : i32 to vector<16xi32>
      %add3A_1563 = arith.addi %shift_left3A_1336, %add3A_1562 : vector<16xi32>
      %gather3A_1564 = tpu.vector_load_idx %arg7[%add3A_1325, %add3A_1563] : memref<512x128xf32, #tpu.memory_space<vmem>>[vector<16xi32>, vector<16xi32>], vector<16xf32>,
      %add3A_1565 = arith.constant 17 : i32
      %add3A_1566 = vector.broadcast %add3A_1565 : i32 to vector<16xi32>
      %add3A_1567 = arith.addi %shift_left3A_1339, %add3A_1566 : vector<16xi32>
      %shift_right_logical3A_1568 = arith.constant 7 : i32
      %shift_right_logical3A_1569 = vector.broadcast %shift_right_logical3A_1568 : i32 to vector<16xi32>
      %shift_right_logical3A_1570 = arith.shrui %add3A_1567, %shift_right_logical3A_1569 : vector<16xi32>
      %and3A_1571 = arith.constant 127 : i32
      %and3A_1572 = vector.broadcast %and3A_1571 : i32 to vector<16xi32>
      %and3A_1573 = arith.andi %add3A_1567, %and3A_1572 : vector<16xi32>
      tpu.vector_store_idx %arg8[%shift_right_logical3A_1570, %and3A_1573], %gather3A_1564 : memref<128x128xf32, #tpu.memory_space<vmem>>[vector<16xi32>, vector<16xi32>], vector<16xf32>,
      %add3A_1574 = arith.constant 18 : i32
      %add3A_1575 = vector.broadcast %add3A_1574 : i32 to vector<16xi32>
      %add3A_1576 = arith.addi %shift_left3A_1336, %add3A_1575 : vector<16xi32>
      %gather3A_1577 = tpu.vector_load_idx %arg7[%add3A_1325, %add3A_1576] : memref<512x128xf32, #tpu.memory_space<vmem>>[vector<16xi32>, vector<16xi32>], vector<16xf32>,
      %add3A_1578 = arith.constant 18 : i32
      %add3A_1579 = vector.broadcast %add3A_1578 : i32 to vector<16xi32>
      %add3A_1580 = arith.addi %shift_left3A_1339, %add3A_1579 : vector<16xi32>
      %shift_right_logical3A_1581 = arith.constant 7 : i32
      %shift_right_logical3A_1582 = vector.broadcast %shift_right_logical3A_1581 : i32 to vector<16xi32>
      %shift_right_logical3A_1583 = arith.shrui %add3A_1580, %shift_right_logical3A_1582 : vector<16xi32>
      %and3A_1584 = arith.constant 127 : i32
      %and3A_1585 = vector.broadcast %and3A_1584 : i32 to vector<16xi32>
      %and3A_1586 = arith.andi %add3A_1580, %and3A_1585 : vector<16xi32>
      tpu.vector_store_idx %arg8[%shift_right_logical3A_1583, %and3A_1586], %gather3A_1577 : memref<128x128xf32, #tpu.memory_space<vmem>>[vector<16xi32>, vector<16xi32>], vector<16xf32>,
      %add3A_1587 = arith.constant 19 : i32
      %add3A_1588 = vector.broadcast %add3A_1587 : i32 to vector<16xi32>
      %add3A_1589 = arith.addi %shift_left3A_1336, %add3A_1588 : vector<16xi32>
      %gather3A_1590 = tpu.vector_load_idx %arg7[%add3A_1325, %add3A_1589] : memref<512x128xf32, #tpu.memory_space<vmem>>[vector<16xi32>, vector<16xi32>], vector<16xf32>,
      %add3A_1591 = arith.constant 19 : i32
      %add3A_1592 = vector.broadcast %add3A_1591 : i32 to vector<16xi32>
      %add3A_1593 = arith.addi %shift_left3A_1339, %add3A_1592 : vector<16xi32>
      %shift_right_logical3A_1594 = arith.constant 7 : i32
      %shift_right_logical3A_1595 = vector.broadcast %shift_right_logical3A_1594 : i32 to vector<16xi32>
      %shift_right_logical3A_1596 = arith.shrui %add3A_1593, %shift_right_logical3A_1595 : vector<16xi32>
      %and3A_1597 = arith.constant 127 : i32
      %and3A_1598 = vector.broadcast %and3A_1597 : i32 to vector<16xi32>
      %and3A_1599 = arith.andi %add3A_1593, %and3A_1598 : vector<16xi32>
      tpu.vector_store_idx %arg8[%shift_right_logical3A_1596, %and3A_1599], %gather3A_1590 : memref<128x128xf32, #tpu.memory_space<vmem>>[vector<16xi32>, vector<16xi32>], vector<16xf32>,
      %add3A_1600 = arith.constant 20 : i32
      %add3A_1601 = vector.broadcast %add3A_1600 : i32 to vector<16xi32>
      %add3A_1602 = arith.addi %shift_left3A_1336, %add3A_1601 : vector<16xi32>
      %gather3A_1603 = tpu.vector_load_idx %arg7[%add3A_1325, %add3A_1602] : memref<512x128xf32, #tpu.memory_space<vmem>>[vector<16xi32>, vector<16xi32>], vector<16xf32>,
      %add3A_1604 = arith.constant 20 : i32
      %add3A_1605 = vector.broadcast %add3A_1604 : i32 to vector<16xi32>
      %add3A_1606 = arith.addi %shift_left3A_1339, %add3A_1605 : vector<16xi32>
      %shift_right_logical3A_1607 = arith.constant 7 : i32
      %shift_right_logical3A_1608 = vector.broadcast %shift_right_logical3A_1607 : i32 to vector<16xi32>
      %shift_right_logical3A_1609 = arith.shrui %add3A_1606, %shift_right_logical3A_1608 : vector<16xi32>
      %and3A_1610 = arith.constant 127 : i32
      %and3A_1611 = vector.broadcast %and3A_1610 : i32 to vector<16xi32>
      %and3A_1612 = arith.andi %add3A_1606, %and3A_1611 : vector<16xi32>
      tpu.vector_store_idx %arg8[%shift_right_logical3A_1609, %and3A_1612], %gather3A_1603 : memref<128x128xf32, #tpu.memory_space<vmem>>[vector<16xi32>, vector<16xi32>], vector<16xf32>,
      %add3A_1613 = arith.constant 21 : i32
      %add3A_1614 = vector.broadcast %add3A_1613 : i32 to vector<16xi32>
      %add3A_1615 = arith.addi %shift_left3A_1336, %add3A_1614 : vector<16xi32>
      %gather3A_1616 = tpu.vector_load_idx %arg7[%add3A_1325, %add3A_1615] : memref<512x128xf32, #tpu.memory_space<vmem>>[vector<16xi32>, vector<16xi32>], vector<16xf32>,
      %add3A_1617 = arith.constant 21 : i32
      %add3A_1618 = vector.broadcast %add3A_1617 : i32 to vector<16xi32>
      %add3A_1619 = arith.addi %shift_left3A_1339, %add3A_1618 : vector<16xi32>
      %shift_right_logical3A_1620 = arith.constant 7 : i32
      %shift_right_logical3A_1621 = vector.broadcast %shift_right_logical3A_1620 : i32 to vector<16xi32>
      %shift_right_logical3A_1622 = arith.shrui %add3A_1619, %shift_right_logical3A_1621 : vector<16xi32>
      %and3A_1623 = arith.constant 127 : i32
      %and3A_1624 = vector.broadcast %and3A_1623 : i32 to vector<16xi32>
      %and3A_1625 = arith.andi %add3A_1619, %and3A_1624 : vector<16xi32>
      tpu.vector_store_idx %arg8[%shift_right_logical3A_1622, %and3A_1625], %gather3A_1616 : memref<128x128xf32, #tpu.memory_space<vmem>>[vector<16xi32>, vector<16xi32>], vector<16xf32>,
      %add3A_1626 = arith.constant 22 : i32
      %add3A_1627 = vector.broadcast %add3A_1626 : i32 to vector<16xi32>
      %add3A_1628 = arith.addi %shift_left3A_1336, %add3A_1627 : vector<16xi32>
      %gather3A_1629 = tpu.vector_load_idx %arg7[%add3A_1325, %add3A_1628] : memref<512x128xf32, #tpu.memory_space<vmem>>[vector<16xi32>, vector<16xi32>], vector<16xf32>,
      %add3A_1630 = arith.constant 22 : i32
      %add3A_1631 = vector.broadcast %add3A_1630 : i32 to vector<16xi32>
      %add3A_1632 = arith.addi %shift_left3A_1339, %add3A_1631 : vector<16xi32>
      %shift_right_logical3A_1633 = arith.constant 7 : i32
      %shift_right_logical3A_1634 = vector.broadcast %shift_right_logical3A_1633 : i32 to vector<16xi32>
      %shift_right_logical3A_1635 = arith.shrui %add3A_1632, %shift_right_logical3A_1634 : vector<16xi32>
      %and3A_1636 = arith.constant 127 : i32
      %and3A_1637 = vector.broadcast %and3A_1636 : i32 to vector<16xi32>
      %and3A_1638 = arith.andi %add3A_1632, %and3A_1637 : vector<16xi32>
      tpu.vector_store_idx %arg8[%shift_right_logical3A_1635, %and3A_1638], %gather3A_1629 : memref<128x128xf32, #tpu.memory_space<vmem>>[vector<16xi32>, vector<16xi32>], vector<16xf32>,
      %add3A_1639 = arith.constant 23 : i32
      %add3A_1640 = vector.broadcast %add3A_1639 : i32 to vector<16xi32>
      %add3A_1641 = arith.addi %shift_left3A_1336, %add3A_1640 : vector<16xi32>
      %gather3A_1642 = tpu.vector_load_idx %arg7[%add3A_1325, %add3A_1641] : memref<512x128xf32, #tpu.memory_space<vmem>>[vector<16xi32>, vector<16xi32>], vector<16xf32>,
      %add3A_1643 = arith.constant 23 : i32
      %add3A_1644 = vector.broadcast %add3A_1643 : i32 to vector<16xi32>
      %add3A_1645 = arith.addi %shift_left3A_1339, %add3A_1644 : vector<16xi32>
      %shift_right_logical3A_1646 = arith.constant 7 : i32
      %shift_right_logical3A_1647 = vector.broadcast %shift_right_logical3A_1646 : i32 to vector<16xi32>
      %shift_right_logical3A_1648 = arith.shrui %add3A_1645, %shift_right_logical3A_1647 : vector<16xi32>
      %and3A_1649 = arith.constant 127 : i32
      %and3A_1650 = vector.broadcast %and3A_1649 : i32 to vector<16xi32>
      %and3A_1651 = arith.andi %add3A_1645, %and3A_1650 : vector<16xi32>
      tpu.vector_store_idx %arg8[%shift_right_logical3A_1648, %and3A_1651], %gather3A_1642 : memref<128x128xf32, #tpu.memory_space<vmem>>[vector<16xi32>, vector<16xi32>], vector<16xf32>,
      %add3A_1652 = arith.constant 24 : i32
      %add3A_1653 = vector.broadcast %add3A_1652 : i32 to vector<16xi32>
      %add3A_1654 = arith.addi %shift_left3A_1336, %add3A_1653 : vector<16xi32>
      %gather3A_1655 = tpu.vector_load_idx %arg7[%add3A_1325, %add3A_1654] : memref<512x128xf32, #tpu.memory_space<vmem>>[vector<16xi32>, vector<16xi32>], vector<16xf32>,
      %add3A_1656 = arith.constant 24 : i32
      %add3A_1657 = vector.broadcast %add3A_1656 : i32 to vector<16xi32>
      %add3A_1658 = arith.addi %shift_left3A_1339, %add3A_1657 : vector<16xi32>
      %shift_right_logical3A_1659 = arith.constant 7 : i32
      %shift_right_logical3A_1660 = vector.broadcast %shift_right_logical3A_1659 : i32 to vector<16xi32>
      %shift_right_logical3A_1661 = arith.shrui %add3A_1658, %shift_right_logical3A_1660 : vector<16xi32>
      %and3A_1662 = arith.constant 127 : i32
      %and3A_1663 = vector.broadcast %and3A_1662 : i32 to vector<16xi32>
      %and3A_1664 = arith.andi %add3A_1658, %and3A_1663 : vector<16xi32>
      tpu.vector_store_idx %arg8[%shift_right_logical3A_1661, %and3A_1664], %gather3A_1655 : memref<128x128xf32, #tpu.memory_space<vmem>>[vector<16xi32>, vector<16xi32>], vector<16xf32>,
      %add3A_1665 = arith.constant 25 : i32
      %add3A_1666 = vector.broadcast %add3A_1665 : i32 to vector<16xi32>
      %add3A_1667 = arith.addi %shift_left3A_1336, %add3A_1666 : vector<16xi32>
      %gather3A_1668 = tpu.vector_load_idx %arg7[%add3A_1325, %add3A_1667] : memref<512x128xf32, #tpu.memory_space<vmem>>[vector<16xi32>, vector<16xi32>], vector<16xf32>,
      %add3A_1669 = arith.constant 25 : i32
      %add3A_1670 = vector.broadcast %add3A_1669 : i32 to vector<16xi32>
      %add3A_1671 = arith.addi %shift_left3A_1339, %add3A_1670 : vector<16xi32>
      %shift_right_logical3A_1672 = arith.constant 7 : i32
      %shift_right_logical3A_1673 = vector.broadcast %shift_right_logical3A_1672 : i32 to vector<16xi32>
      %shift_right_logical3A_1674 = arith.shrui %add3A_1671, %shift_right_logical3A_1673 : vector<16xi32>
      %and3A_1675 = arith.constant 127 : i32
      %and3A_1676 = vector.broadcast %and3A_1675 : i32 to vector<16xi32>
      %and3A_1677 = arith.andi %add3A_1671, %and3A_1676 : vector<16xi32>
      tpu.vector_store_idx %arg8[%shift_right_logical3A_1674, %and3A_1677], %gather3A_1668 : memref<128x128xf32, #tpu.memory_space<vmem>>[vector<16xi32>, vector<16xi32>], vector<16xf32>,
      %add3A_1678 = arith.constant 26 : i32
      %add3A_1679 = vector.broadcast %add3A_1678 : i32 to vector<16xi32>
      %add3A_1680 = arith.addi %shift_left3A_1336, %add3A_1679 : vector<16xi32>
      %gather3A_1681 = tpu.vector_load_idx %arg7[%add3A_1325, %add3A_1680] : memref<512x128xf32, #tpu.memory_space<vmem>>[vector<16xi32>, vector<16xi32>], vector<16xf32>,
      %add3A_1682 = arith.constant 26 : i32
      %add3A_1683 = vector.broadcast %add3A_1682 : i32 to vector<16xi32>
      %add3A_1684 = arith.addi %shift_left3A_1339, %add3A_1683 : vector<16xi32>
      %shift_right_logical3A_1685 = arith.constant 7 : i32
      %shift_right_logical3A_1686 = vector.broadcast %shift_right_logical3A_1685 : i32 to vector<16xi32>
      %shift_right_logical3A_1687 = arith.shrui %add3A_1684, %shift_right_logical3A_1686 : vector<16xi32>
      %and3A_1688 = arith.constant 127 : i32
      %and3A_1689 = vector.broadcast %and3A_1688 : i32 to vector<16xi32>
      %and3A_1690 = arith.andi %add3A_1684, %and3A_1689 : vector<16xi32>
      tpu.vector_store_idx %arg8[%shift_right_logical3A_1687, %and3A_1690], %gather3A_1681 : memref<128x128xf32, #tpu.memory_space<vmem>>[vector<16xi32>, vector<16xi32>], vector<16xf32>,
      %add3A_1691 = arith.constant 27 : i32
      %add3A_1692 = vector.broadcast %add3A_1691 : i32 to vector<16xi32>
      %add3A_1693 = arith.addi %shift_left3A_1336, %add3A_1692 : vector<16xi32>
      %gather3A_1694 = tpu.vector_load_idx %arg7[%add3A_1325, %add3A_1693] : memref<512x128xf32, #tpu.memory_space<vmem>>[vector<16xi32>, vector<16xi32>], vector<16xf32>,
      %add3A_1695 = arith.constant 27 : i32
      %add3A_1696 = vector.broadcast %add3A_1695 : i32 to vector<16xi32>
      %add3A_1697 = arith.addi %shift_left3A_1339, %add3A_1696 : vector<16xi32>
      %shift_right_logical3A_1698 = arith.constant 7 : i32
      %shift_right_logical3A_1699 = vector.broadcast %shift_right_logical3A_1698 : i32 to vector<16xi32>
      %shift_right_logical3A_1700 = arith.shrui %add3A_1697, %shift_right_logical3A_1699 : vector<16xi32>
      %and3A_1701 = arith.constant 127 : i32
      %and3A_1702 = vector.broadcast %and3A_1701 : i32 to vector<16xi32>
      %and3A_1703 = arith.andi %add3A_1697, %and3A_1702 : vector<16xi32>
      tpu.vector_store_idx %arg8[%shift_right_logical3A_1700, %and3A_1703], %gather3A_1694 : memref<128x128xf32, #tpu.memory_space<vmem>>[vector<16xi32>, vector<16xi32>], vector<16xf32>,
      %add3A_1704 = arith.constant 28 : i32
      %add3A_1705 = vector.broadcast %add3A_1704 : i32 to vector<16xi32>
      %add3A_1706 = arith.addi %shift_left3A_1336, %add3A_1705 : vector<16xi32>
      %gather3A_1707 = tpu.vector_load_idx %arg7[%add3A_1325, %add3A_1706] : memref<512x128xf32, #tpu.memory_space<vmem>>[vector<16xi32>, vector<16xi32>], vector<16xf32>,
      %add3A_1708 = arith.constant 28 : i32
      %add3A_1709 = vector.broadcast %add3A_1708 : i32 to vector<16xi32>
      %add3A_1710 = arith.addi %shift_left3A_1339, %add3A_1709 : vector<16xi32>
      %shift_right_logical3A_1711 = arith.constant 7 : i32
      %shift_right_logical3A_1712 = vector.broadcast %shift_right_logical3A_1711 : i32 to vector<16xi32>
      %shift_right_logical3A_1713 = arith.shrui %add3A_1710, %shift_right_logical3A_1712 : vector<16xi32>
      %and3A_1714 = arith.constant 127 : i32
      %and3A_1715 = vector.broadcast %and3A_1714 : i32 to vector<16xi32>
      %and3A_1716 = arith.andi %add3A_1710, %and3A_1715 : vector<16xi32>
      tpu.vector_store_idx %arg8[%shift_right_logical3A_1713, %and3A_1716], %gather3A_1707 : memref<128x128xf32, #tpu.memory_space<vmem>>[vector<16xi32>, vector<16xi32>], vector<16xf32>,
      %add3A_1717 = arith.constant 29 : i32
      %add3A_1718 = vector.broadcast %add3A_1717 : i32 to vector<16xi32>
      %add3A_1719 = arith.addi %shift_left3A_1336, %add3A_1718 : vector<16xi32>
      %gather3A_1720 = tpu.vector_load_idx %arg7[%add3A_1325, %add3A_1719] : memref<512x128xf32, #tpu.memory_space<vmem>>[vector<16xi32>, vector<16xi32>], vector<16xf32>,
      %add3A_1721 = arith.constant 29 : i32
      %add3A_1722 = vector.broadcast %add3A_1721 : i32 to vector<16xi32>
      %add3A_1723 = arith.addi %shift_left3A_1339, %add3A_1722 : vector<16xi32>
      %shift_right_logical3A_1724 = arith.constant 7 : i32
      %shift_right_logical3A_1725 = vector.broadcast %shift_right_logical3A_1724 : i32 to vector<16xi32>
      %shift_right_logical3A_1726 = arith.shrui %add3A_1723, %shift_right_logical3A_1725 : vector<16xi32>
      %and3A_1727 = arith.constant 127 : i32
      %and3A_1728 = vector.broadcast %and3A_1727 : i32 to vector<16xi32>
      %and3A_1729 = arith.andi %add3A_1723, %and3A_1728 : vector<16xi32>
      tpu.vector_store_idx %arg8[%shift_right_logical3A_1726, %and3A_1729], %gather3A_1720 : memref<128x128xf32, #tpu.memory_space<vmem>>[vector<16xi32>, vector<16xi32>], vector<16xf32>,
      %add3A_1730 = arith.constant 30 : i32
      %add3A_1731 = vector.broadcast %add3A_1730 : i32 to vector<16xi32>
      %add3A_1732 = arith.addi %shift_left3A_1336, %add3A_1731 : vector<16xi32>
      %gather3A_1733 = tpu.vector_load_idx %arg7[%add3A_1325, %add3A_1732] : memref<512x128xf32, #tpu.memory_space<vmem>>[vector<16xi32>, vector<16xi32>], vector<16xf32>,
      %add3A_1734 = arith.constant 30 : i32
      %add3A_1735 = vector.broadcast %add3A_1734 : i32 to vector<16xi32>
      %add3A_1736 = arith.addi %shift_left3A_1339, %add3A_1735 : vector<16xi32>
      %shift_right_logical3A_1737 = arith.constant 7 : i32
      %shift_right_logical3A_1738 = vector.broadcast %shift_right_logical3A_1737 : i32 to vector<16xi32>
      %shift_right_logical3A_1739 = arith.shrui %add3A_1736, %shift_right_logical3A_1738 : vector<16xi32>
      %and3A_1740 = arith.constant 127 : i32
      %and3A_1741 = vector.broadcast %and3A_1740 : i32 to vector<16xi32>
      %and3A_1742 = arith.andi %add3A_1736, %and3A_1741 : vector<16xi32>
      tpu.vector_store_idx %arg8[%shift_right_logical3A_1739, %and3A_1742], %gather3A_1733 : memref<128x128xf32, #tpu.memory_space<vmem>>[vector<16xi32>, vector<16xi32>], vector<16xf32>,
      %add3A_1743 = arith.constant 31 : i32
      %add3A_1744 = vector.broadcast %add3A_1743 : i32 to vector<16xi32>
      %add3A_1745 = arith.addi %shift_left3A_1336, %add3A_1744 : vector<16xi32>
      %gather3A_1746 = tpu.vector_load_idx %arg7[%add3A_1325, %add3A_1745] : memref<512x128xf32, #tpu.memory_space<vmem>>[vector<16xi32>, vector<16xi32>], vector<16xf32>,
      %add3A_1747 = arith.constant 31 : i32
      %add3A_1748 = vector.broadcast %add3A_1747 : i32 to vector<16xi32>
      %add3A_1749 = arith.addi %shift_left3A_1339, %add3A_1748 : vector<16xi32>
      %shift_right_logical3A_1750 = arith.constant 7 : i32
      %shift_right_logical3A_1751 = vector.broadcast %shift_right_logical3A_1750 : i32 to vector<16xi32>
      %shift_right_logical3A_1752 = arith.shrui %add3A_1749, %shift_right_logical3A_1751 : vector<16xi32>
      %and3A_1753 = arith.constant 127 : i32
      %and3A_1754 = vector.broadcast %and3A_1753 : i32 to vector<16xi32>
      %and3A_1755 = arith.andi %add3A_1749, %and3A_1754 : vector<16xi32>
      tpu.vector_store_idx %arg8[%shift_right_logical3A_1752, %and3A_1755], %gather3A_1746 : memref<128x128xf32, #tpu.memory_space<vmem>>[vector<16xi32>, vector<16xi32>], vector<16xf32>,
    }
    %scan3A_15 = arith.constant 32 : i32
    %mul3A_16 = arith.constant 128 : i32
    %mul3A_17 = arith.muli %add3A, %mul3A_16 : i32
    "tpu.region"() ({
      %run_scoped3A = tpu.sem_alloc : memref<!tpu.dma_semaphore, #tpu.memory_space<semaphore_mem>>
      %dma_start3A_18 = arith.constant 0 : i32
      %dma_start3A_19 = tpu.memref_slice %arg4[%mul3A_17, %dma_start3A_18] : memref<4096x128xf32, #tpu.memory_space<hbm>> -> memref<128x128xf32, #tpu.memory_space<hbm>>
      %dma_start3A_20 = arith.constant 0 : i32
      %dma_start3A_21 = tpu.memref_slice %arg4[%mul3A_17, %dma_start3A_20] : memref<4096x128xf32, #tpu.memory_space<hbm>> -> memref<128x128xf32, #tpu.memory_space<hbm>>
      tpu.enqueue_dma source(%arg8 : memref<128x128xf32, #tpu.memory_space<vmem>>) target(%dma_start3A_21 : memref<128x128xf32, #tpu.memory_space<hbm>>) target_semaphore(%run_scoped3A : memref<!tpu.dma_semaphore, #tpu.memory_space<semaphore_mem>>)
      %dma_wait3A_22 = arith.constant 0 : i32
      %dma_wait3A_23 = tpu.memref_slice %arg4[%mul3A_17, %dma_wait3A_22] : memref<4096x128xf32, #tpu.memory_space<hbm>> -> memref<128x128xf32, #tpu.memory_space<hbm>>
      %dma_wait3A_24 = arith.constant 0 : i32
      %dma_wait3A_25 = tpu.memref_slice %arg4[%mul3A_17, %dma_wait3A_24] : memref<4096x128xf32, #tpu.memory_space<hbm>> -> memref<128x128xf32, #tpu.memory_space<hbm>>
      tpu.wait_dma2 semaphore(%run_scoped3A : memref<!tpu.dma_semaphore, #tpu.memory_space<semaphore_mem>>) src(%arg8 : memref<128x128xf32, #tpu.memory_space<vmem>>) dst(%dma_wait3A_25 : memref<128x128xf32, #tpu.memory_space<hbm>>)
      tpu.yield
    }) : () -> ()
    return
  }
}

module attributes {stable_mosaic.version = 14 : i64} {
  func.func @body(%arg0: i32, %arg1: memref<32x32768xf32, #tpu.memory_space<vmem>>, %arg2: memref<8192x128xf32, #tpu.memory_space<vmem>>) attributes {dimension_semantics = [#tpu.dimension_semantics<arbitrary>], iteration_bounds = array<i64: 31>, scalar_prefetch = 0 : i64, scratch_operands = 0 : i64, tpu.core_type = #tpu.core_type<tc>, window_params = [{transform_indices = @transform_0, window_bounds = array<i64: 32, 32768>}, {transform_indices = @transform_1, window_bounds = array<i64: 8192, 128>}]} {
    %get3A = arith.constant 0 : index
    %get3A_0 = arith.constant 0 : index
    %get3A_1 = vector.load %arg1[%get3A, %get3A_0] : memref<32x32768xf32, #tpu.memory_space<vmem>>, vector<32x32768xf32>
    %transpose3A = tpu.transpose %get3A_1, [1, 0] : vector<32x32768xf32> -> vector<32768x32xf32>
    %slice3A = vector.extract_strided_slice %transpose3A {offsets = [0, 0], sizes = [8192, 32], strides = [1, 1]} : vector<32768x32xf32> to vector<8192x32xf32>
    %swap3A = arith.constant 0 : index
    %swap3A_2 = arith.constant 0 : index
    %swap3A_3 = vector.load %arg2[%swap3A, %swap3A_2] : memref<8192x128xf32, #tpu.memory_space<vmem>>, vector<8192x32xf32>
    tpu.vector_store %arg2[%swap3A, %swap3A_2], %slice3A {strides = array<i32>} : memref<8192x128xf32, #tpu.memory_space<vmem>>, vector<8192x32xf32>,
    %slice3A_4 = vector.extract_strided_slice %transpose3A {offsets = [8192, 0], sizes = [8192, 32], strides = [1, 1]} : vector<32768x32xf32> to vector<8192x32xf32>
    %swap3A_5 = arith.constant 0 : index
    %swap3A_6 = arith.constant 32 : index
    %swap3A_7 = vector.load %arg2[%swap3A_5, %swap3A_6] : memref<8192x128xf32, #tpu.memory_space<vmem>>, vector<8192x32xf32>
    tpu.vector_store %arg2[%swap3A_5, %swap3A_6], %slice3A_4 {strides = array<i32>} : memref<8192x128xf32, #tpu.memory_space<vmem>>, vector<8192x32xf32>,
    %slice3A_8 = vector.extract_strided_slice %transpose3A {offsets = [16384, 0], sizes = [8192, 32], strides = [1, 1]} : vector<32768x32xf32> to vector<8192x32xf32>
    %swap3A_9 = arith.constant 0 : index
    %swap3A_10 = arith.constant 64 : index
    %swap3A_11 = vector.load %arg2[%swap3A_9, %swap3A_10] : memref<8192x128xf32, #tpu.memory_space<vmem>>, vector<8192x32xf32>
    tpu.vector_store %arg2[%swap3A_9, %swap3A_10], %slice3A_8 {strides = array<i32>} : memref<8192x128xf32, #tpu.memory_space<vmem>>, vector<8192x32xf32>,
    %slice3A_12 = vector.extract_strided_slice %transpose3A {offsets = [24576, 0], sizes = [8192, 32], strides = [1, 1]} : vector<32768x32xf32> to vector<8192x32xf32>
    %swap3A_13 = arith.constant 0 : index
    %swap3A_14 = arith.constant 96 : index
    %swap3A_15 = vector.load %arg2[%swap3A_13, %swap3A_14] : memref<8192x128xf32, #tpu.memory_space<vmem>>, vector<8192x32xf32>
    tpu.vector_store %arg2[%swap3A_13, %swap3A_14], %slice3A_12 {strides = array<i32>} : memref<8192x128xf32, #tpu.memory_space<vmem>>, vector<8192x32xf32>,
    return
  }
  func.func @transform_0(%arg0: i32) -> (i32, i32) {
    %c0_i32 = arith.constant 0 : i32
    %c0_i32_0 = arith.constant 0 : i32
    return %c0_i32, %arg0 : i32, i32
  }
  func.func @transform_1(%arg0: i32) -> (i32, i32) {
    %c0_i32 = arith.constant 0 : i32
    %c0_i32_0 = arith.constant 0 : i32
    return %arg0, %c0_i32 : i32, i32
  }
}

</mosaic_0001>

<sc_bundles>
// kernel: kernel.4.cloned.1.call-start
scs
__scs_entry_jumppad:
0x0: {  	(pc) =	sbr.rel $0x88, $3  }
0x1: {  	(tag) =	ssettag $0x0;
	lr =	simm.s32 $0x1  }
0x2: {  	[smem:$0x3F9F] =	sst lr;
	_ =	strace $0xD0000000  }
0x3: {  	_ = 	snop  }
0x4: {  	_ = 	snop  }
0x5: {  	_ = 	snop  }
0x6: {  	_ = 	snop  }
0x7: {  	_ = 	snop  }
__scs_overlays_trampoline_lowered:
0x8: {  	[smem:$0x3FAE] =	sst s0  }
0x9: {  	[smem:$0x3FAF] =	sst s1  }
0xa: {  	[smem:$0x3FB0] =	sst s2  }
0xb: {  	[smem:$0x3FB1] =	sst s3  }
0xc: {  	[smem:$0x3FB2] =	sst s4  }
0xd: {  	[smem:$0x3FB3] =	sst s5  }
0xe: {  	[smem:$0x3FB4] =	sst s6  }
0xf: {  	[smem:$0x3FB5] =	sst s7  }
0x10: {  	[smem:$0x3FB6] =	sst s8  }
0x11: {  	[smem:$0x3FB7] =	sst s9;
	s0 =	simm.s32 @!p0 $0x0  }
0x12: {  	s1 =	sld [smem:$0x3F9D];
	s0 =	simm.s32 @p0 $0x1  }
0x13: {  	[smem:$0x3FB8] =	sst s0;
	s0 =	simm.s32 @!p1 $0x0  }
0x14: {  	s2 =	sld [smem:$0x3F9C];
	s0 =	simm.s32 @p1 $0x1  }
0x15: {  	[smem:$0x3FB9] =	sst s0;
	s0 =	simm.s32 @!p2 $0x0  }
0x16: {  	s3 =	sld [smem:$0x3FDB];
	s0 =	simm.s32 @p2 $0x1  }
0x17: {  	s4 =	simm.s32 $0x1BF5;
	[smem:$0x3FBB] =	sst s0  }
0x18: {  	s0 =	sld [smem:$0x3F9E];
	_ =	swait.ge [sflag:s4], $0x0  }
0x19: {  	s7 =	sld [smem:$0x3F9F]  }
0x1a: {  	s8 =	sadd.s32 $0xFFFFE003, lr  }
0x1b: {  	s9 =	sadd.s32 $0xFFFFFEF7, lr;
	s5 =	simm.s32 $0xFFFFFFFF;
	p2 =	slt.u32 s8, $0xFFFFF086  }
0x1c: {  	p1 =	slt.u32 s9, $0xF7A;
	s5 =	simm.s32 @!p2 $0x0  }
0x1d: {  	s5 =	simm.s32 @p1 $0x1;
	p0 =	seq.s32 s7, s2  }
0x1e: {  	s7 =	smul.u32 @!p0 $0xF7A, s2;
	p2 =	seq.s32 @!p0 s5, $0x0  }
0x1f: {  	s9 =	smul.u32 $0xF7A, s1;
	s8 =	simm.s32 @!p0 $0x1BF5;
	p2 =	por !p2, p0  }
0x20: {  	[sflag:s8] =	ssyncset.s32 @!p0 $0xFFFFF086;
	s6 =	sadd.s32 @!p0 s3, s7;
	s7 =	simm.s32 @!p0 $0x108  }
0x21: {  	s3 =	sadd.s32 s3, s9;
	s6 =	sadd.s32 @!p0 $0x88, s6;
	s7 =	simm.s32 @p2 $0x1082  }
0x22: {  	[simem:s7], [sflag:s8] =	dma.local @!p0 [hbm:s6], $0xF7A  }
0x23: {  	s9 =	sor.u32 $0xD0000000, s2;
	s6 =	simm.s32 $0x108;
	_ =	swait.ge @!p0 [sflag:s8], $0x0  }
0x24: {  	s3 =	sadd.s32 $0x88, s3;
	s6 =	simm.s32 @!p1 $0x1082;
	[sflag:s4] =	ssyncset.s32 $0xFFFFF086  }
0x25: {  	[simem:s6], [sflag:s4] =	dma.local [hbm:s3], $0xF7A  }
0x26: {  	[smem:$0x3F9F] =	sst s1;
	(tag) =	ssettag s2;
	_ =	strace s9  }
0x27: {  	s1 =	sld [smem:$0x3FAF]  }
0x28: {  	s2 =	sld [smem:$0x3FB0]  }
0x29: {  	s4 =	sld [smem:$0x3FB2]  }
0x2a: {  	p0 =	seq.s32 s5, $0x0;
	s5 =	sld [smem:$0x3FB3]  }
0x2b: {  	s6 =	sld [smem:$0x3FB4]  }
0x2c: {  	s7 =	sld [smem:$0x3FB5]  }
0x2d: {  	s3 =	simm.s32 $0x108;
	s8 =	sld [smem:$0x3FB6]  }
0x2e: {  	s3 =	simm.s32 @!p0 $0x1082;
	s9 =	sld [smem:$0x3FB7]  }
0x2f: {  	lr =	sadd.s32 s0, s3;
	s0 =	sld [smem:$0x3FAE]  }
0x30: {  	s3 =	sld [smem:$0x3FB1]  }
0x31: {  	[smem:$0x3FBA] =	sst s10  }
0x32: {  	s10 =	sld [smem:$0x3FB8];
	_ =	sdelay $0x3  }
0x33: {  	p0 =	seq.s32 s10, $0x1;
	s10 =	sld [smem:$0x3FBA];
	_ =	sdelay $0x3  }
0x34: {  	[smem:$0x3FBA] =	sst s10  }
0x35: {  	s10 =	sld [smem:$0x3FB9];
	_ =	sdelay $0x3  }
0x36: {  	p1 =	seq.s32 s10, $0x1;
	s10 =	sld [smem:$0x3FBA];
	_ =	sdelay $0x3  }
0x37: {  	[smem:$0x3FBA] =	sst s10  }
0x38: {  	s10 =	sld [smem:$0x3FBB]  }
0x39: {  	_ = 	snop;
	(pc) =	sbr.ind lr, $3  }
0x3a: {  	_ = 	snop  }
0x3b: {  	_ = 	snop  }
0x3c: {  	p2 =	seq.s32 s10, $0x1;
	s10 =	sld [smem:$0x3FBA]  }
0x3d: {  	_ =	shalt  }
0x3e: {  	_ =	shalt  }
0x3f: {  	_ =	shalt  }
0x40: {  	_ =	shalt  }
0x41: {  	_ =	shalt  }
0x42: {  	_ =	shalt  }
0x43: {  	_ =	shalt  }
0x44: {  	_ =	shalt  }
0x45: {  	_ =	shalt  }
0x46: {  	_ =	shalt  }
0x47: {  	_ =	shalt  }
0x48: {  	_ =	shalt  }
0x49: {  	_ =	shalt  }
0x4a: {  	_ =	shalt  }
0x4b: {  	_ =	shalt  }
0x4c: {  	_ =	shalt  }
0x4d: {  	_ =	shalt  }
0x4e: {  	_ =	shalt  }
0x4f: {  	_ =	shalt  }
0x50: {  	_ =	shalt  }
0x51: {  	_ =	shalt  }
0x52: {  	_ =	shalt  }
0x53: {  	_ =	shalt  }
0x54: {  	_ =	shalt  }
0x55: {  	_ =	shalt  }
0x56: {  	_ =	shalt  }
0x57: {  	_ =	shalt  }
0x58: {  	_ =	shalt  }
0x59: {  	_ =	shalt  }
0x5a: {  	_ =	shalt  }
0x5b: {  	_ =	shalt  }
0x5c: {  	_ =	shalt  }
0x5d: {  	_ =	shalt  }
0x5e: {  	_ =	shalt  }
0x5f: {  	_ =	shalt  }
0x60: {  	_ =	shalt  }
0x61: {  	_ =	shalt  }
0x62: {  	_ =	shalt  }
0x63: {  	_ =	shalt  }
0x64: {  	_ =	shalt  }
0x65: {  	_ =	shalt  }
0x66: {  	_ =	shalt  }
0x67: {  	_ =	shalt  }
0x68: {  	_ =	shalt  }
0x69: {  	_ =	shalt  }
0x6a: {  	_ =	shalt  }
0x6b: {  	_ =	shalt  }
0x6c: {  	_ =	shalt  }
0x6d: {  	_ =	shalt  }
0x6e: {  	_ =	shalt  }
0x6f: {  	_ =	shalt  }
0x70: {  	_ =	shalt  }
0x71: {  	_ =	shalt  }
0x72: {  	_ =	shalt  }
0x73: {  	_ =	shalt  }
0x74: {  	_ =	shalt  }
0x75: {  	_ =	shalt  }
0x76: {  	_ =	shalt  }
0x77: {  	_ =	shalt  }
0x78: {  	_ =	shalt  }
0x79: {  	_ =	shalt  }
0x7a: {  	_ =	shalt  }
0x7b: {  	_ =	shalt  }
0x7c: {  	_ =	shalt  }
0x7d: {  	_ =	shalt  }
0x7e: {  	_ =	shalt  }
0x7f: {  	_ =	shalt  }
0x80: {  	_ =	shalt  }
0x81: {  	_ =	shalt  }
0x82: {  	_ =	shalt  }
0x83: {  	_ =	shalt  }
0x84: {  	_ =	shalt  }
0x85: {  	_ =	shalt  }
0x86: {  	_ =	shalt  }
0x87: {  	_ =	shalt  }
.Lfunc_end0:
.L_simem_size_0:
called_computation_lowered:
.L_overlay_start_0:
0x88: {  	s2 =	sld [smem:$0x3FD9]  }
0x89: {  	s3 =	sld [smem:$0x3FFE];
	_ =	sdelay $0x1  }
0x8a: {  	s1 =	srdreg.scid  }
0x8b: {  	s0 =	sand.u32 $0x1, s1  }
0x8c: {  	s17 =	sshll.u32 s0, $0xA;
	s2 =	sadd.s32 s3, s2  }
0x8d: {  	s2 =	sadd.s32 s2, s17  }
0x8e: {  	[smem:$0x3FC6] =	sst s2  }
0x8f: {  	_ = 	snop  }
0x90: {  	s2 =	sld [smem:$0x3FC9]  }
0x91: {  	s18 =	sld [smem:$0x3FD0];
	(tm) =	ssettm $0x1  }
0x92: {  	s4 =	sld [smem:$0x3FFB];
	_ =	sdelay $0x3  }
0x93: {  	_ =	strace s4  }
0x94: {  	s4 =	sld [smem:$0x3FFC];
	_ =	sdelay $0x3  }
0x95: {  	_ =	strace s4  }
0x96: {  	s4 =	sld [smem:$0x3FFD];
	_ =	sdelay $0x3  }
0x97: {  	_ =	strace s4  }
0x98: {  	_ =	strace $0x8FFFFFFF  }
0x99: {  	s19 =	sld [smem:$0x3FDB];
	_ =	sdelay $0x1  }
0x9a: {  	s5 =	simm.s32 $_scs_section_size  }
0x9b: {  	s6 =	simm.s32 $_size__tile_overlayer_lowered;
	s7 =	simm.s32 $_tile_overlayer_lowered  }
0x9c: {  	s22 =	simm.s32 $0x1BFF;
	s21 =	sshll.u32 s7, $0x1;
	s4 =	sadd.s32 s5, s19  }
0x9d: {  	s8 =	simm.s32 $0x0;
	s20 =	sshll.u32 s6, $0x1;
	s6 =	sadd.s32 s21, s4  }
0x9e: {  	[timem:s8], [sflag:s22] =	dma.local [hbm:s6], s20  }
0x9f: {  	_ =	swait.ge [sflag:s22], s20  }
0xa0: {  	s5 =	ssub.s32 $0x0, s20;
	[sflag:s22] =	ssyncset.done $0x0  }
0xa1: {  	[sflag:s22] =	ssyncadd.s32 s5;
	_ =	sdelay $0x1  }
0xa2: {  	s23 =	simm.s32 $0x1B8B  }
0xa3: {  	_ =	swait.ge [sflag:s23], $0x1  }
0xa4: {  	[sflag:s23] =	ssyncset.done $0x0  }
0xa5: {  	s25 =	simm.s32 $0x1B8E;
	s24 =	sld [smem:$0x3FFE];
	[sflag:s23] =	ssyncadd.s32 $0xFFFFFFFF  }
0xa6: {  	s26 =	simm.s32 $execute0_lowered;
	[smem:$0x3FD2] =	sst s25  }
0xa7: {  	s6 =	sshll.u32 s26, $0x1;
	_ =	strace $0x80000046;
	[dreg:$0x1] =	wrdreg $0xFFFFFFFF  }
0xa8: {  	s28 =	simm.s32 $_size_execute0_lowered;
	s4 =	sadd.s32 s4, s6;
	[dreg:$0x0] =	wrdreg $0x0  }
0xa9: {  	s6 =	sshll.u32 s28, $0x1;
	[dreg:$0x2] =	wrdreg s4  }
0xaa: {  	[dreg:$0x3] =	wrdreg s6  }
0xab: {  	[dreg:$0x4] =	wrdreg $0xC0  }
0xac: {  	_ =	task [dreg:s8], $0x5FFFF  }
0xad: {  	[dreg:$0x1] =	wrdreg $0xFFFFFFFF  }
0xae: {  	[dreg:$0x0] =	wrdreg $0x60  }
0xaf: {  	[dreg:$0x2] =	wrdreg s2  }
0xb0: {  	[dreg:$0x3] =	wrdreg s24  }
0xb1: {  	[dreg:$0x4] =	wrdreg s18  }
0xb2: {  	[dreg:$0x5] =	wrdreg $0x9  }
0xb3: {  	_ =	task.clear_ibuf [dreg:s8], $0x6FFFF;
	_ =	strace $0x90000046  }
0xb4: {  	s29 =	simm.s32 $0x9;
	_ =	strace $0x80000048  }
0xb5: {  	_ =	swait.ge [sflag:s29], $0x1  }
0xb6: {  	[sflag:s29] =	ssyncadd.s32 $0xFFFFFFFF  }
0xb7: {  	_ =	strace $0x90000048  }
0xb8: {  	_ =	sfence  }
0xb9: {  	s30 =	sld [smem:$0x0];
	_ =	sdelay $0x2  }
0xba: {  	s31 =	sshll.u32 s1, $0xD;
	s1 =	sshrl.u32 s1, $0x2  }
0xbb: {  	s3 =	sand.u32 $0x4000, s31;
	s1 =	sadd.s32 s1, s30  }
0xbc: {  	s0 =	sor.u32 s3, s0;
	s1 =	sshll.u32 s1, $0x11  }
0xbd: {  	s0 =	sor.u32 s1, s0  }
0xbe: {  	s0 =	sadd.s32 $0x8F2B, s0  }
0xbf: {  	[sflag:s0] =	ssyncadd.remote.s32 $0x1  }
0xc0: {  	_ =	sfence.sel $0xFFFF  }
0xc1: {  	[dreg:$0x0] =	wrdreg $0xFFFFFFFF;
	(pc) =	sbr.abs _section_cstart, $3  }
0xc2: {  	[dreg:$0x1] =	wrdreg $0xFFFFFFFF  }
0xc3: {  	_ =	task.clear_ibuf [dreg:s8], $0x2FFFF;
	_ =	strace $0x9FFFFFFF  }
0xc4: {  	(tm) =	ssettm $0x7FFFFFFF  }
0xc5: {  	_ =	shalt  }
tec
execute0_lowered:
.L_overlay_start_1:
0x0: {  	(tag) =	ssettag $0x1  }
0x1: {  	s4 =	rddreg [dreg:$0x0]  }
0x2: {  	s3 =	rddreg [dreg:$0x1]  }
0x3: {  	s5 =	rddreg [dreg:$0x2]  }
0x4: {  	s0 =	rddreg [dreg:$0x3];
	s2 =	simm.s32 $0x0;
	s6 =	srdreg.scid  }
0x5: {  	s1 =	stileid.u32;
	s10 =	simm.s32 $0x1;
	s11 =	simm.s32 $0x10400  }
0x6: {  	s12 =	simm.s32 $0x0;
	[smem:$0x7FF] =	sst s2;
	s6 =	sand.u32 $0x1, s6  }
0x7: {  	s8 =	sshll.u32 s1, $0x1;
	s3 =	sadd.s32 $0x400, s3;
	s7 =	ssub.s32 $0x2, s6  }
0x8: {  	_ =	strace $0x80000047;
	s6 =	sor.u32 s6, s8;
	s9 =	sshrl.u32 s7, $0x1  }
0x9: {  	s8 =	sshll.u32 s6, $0x6;
	s6 =	sshll.u32 s6, $0xB;
	s7 =	ssub.s32 s7, s9  }
0xa: {  	s4 =	sadd.s32 s4, s8;
	s5 =	sadd.s32 s5, s6;
	s8 =	simm.s32 $0x200  }
0xb: {  	v0 =	vlaneseq.u32;
	s9 =	simm.s32 $0x400;
	s6 =	smax.u32 s7, $0x1;
	s7 =	simm.s32 $0x2  }
.LBB2_1:
0xc: {  	[tilespmem:s2], [sflag:$0x2] =	stream.linear.gather [hbm4b:s4+s2], $0x200, $0x38;
	[tilespmem:$0x14400] =	vst v63  }
0xd: {  	_ =	swait.ge [sflag:s7], $0x200  }
0xe: {  	[sflag:s7] =	ssyncset.done $0x0  }
0xf: {  	s13 =	simm.s32 $0x0;
	[sflag:s7] =	ssyncadd.s32 $0xFFFFFE00  }
0x10: {  	s14 =	simm.s32 $0x40;
	v1 =	vld [tilespmem:s13+$0x0]  }
.LBB2_2:
0x11: {  	_ =	sdelay $0x1  }
0x12: {  	p0 =	sne.s32 s14, $0x7C0  }
.Ltmp0:
0x13: {  	_ = 	snop;
	(pc) =	sbr.rel @p0 .LBB2_2-.Ltmp0, $4  }
0x14: {  	v2 =	vshrl.u32 v1, $0x2  }
0x15: {  	v3 =	vand.u32 $0x1FFF, v1;
	v2 =	vand.u32 $0x3FFFE000, v2  }
0x16: {  	s15 =	sshra.s32 s14, $0x2;
	v2 =	vor.u32 v3, v2  }
0x17: {  	s14 =	sadd.s32 $0x40, s14;
	v1 =	vld [tilespmem:s15+$0x0];
	[tilespmem:s13+$0x200] =	vst v2;
	s13 =	smov.u32 s15  }
0x18: {  	_ =	sdelay $0x3  }
0x19: {  	v2 =	vshrl.u32 v1, $0x2  }
0x1a: {  	v1 =	vand.u32 $0x1FFF, v1;
	v2 =	vand.u32 $0x3FFFE000, v2  }
0x1b: {  	v1 =	vor.u32 v1, v2  }
0x1c: {  	[tilespmem:s13+$0x200] =	vst v1  }
0x1d: {  	[tilespmem:s9], [sflag:$0x1] =	stream.indirect.gather [hbm4b:s3+s8], $0x80, s8, s8, $0xb8;
	[tilespmem:$0x14400] =	vst v63  }
0x1e: {  	_ =	swait.ge [sflag:s10], $0x10000  }
0x1f: {  	s14 =	simm.s32 $0x0;
	[sflag:s10] =	ssyncset.done $0x0  }
0x20: {  	s15 =	simm.s32 $0x20;
	s13 =	simm.s32 $0xFFFFFFFC;
	[sflag:s10] =	ssyncadd.s32 $0xFFFF0000  }
.LBB2_4:
0x21: {  	v1 =	vld [tilespmem:s15+$0xFFFFFFE0];
	_ =	sdelay $0x4  }
0x22: {  	v2 =	vor.u32 s14, v0;
	v1 =	vshrl.u32 v1, $0x8  }
0x23: {  	v3 =	vshll.u32 v2, $0x7;
	v1 =	vand.u32 $0x60, v1  }
0x24: {  	v1 =	vor.u32 v3, v1;
	_ =	sdelay $0x4  }
0x25: {  	v2 =	vshll.u32 v2, $0x5;
	v3 =	vld.idx.msk [tilespmem:v1+s9+$0x0], $0xffff  }
0x26: {  	v4 =	vor.u32 $0x1, v1;
	_ =	sdelay $0x3  }
0x27: {  	[tilespmem:v2+s11+$0x0] =	vst.idx.msk $0xffff, v3  }
0x28: {  	v50 =	vor.u32 $0x1, v2;
	v3 =	vld.idx.msk [tilespmem:v4+s9+$0x0], $0xffff  }
0x29: {  	v5 =	vor.u32 $0x2, v1;
	_ =	sdelay $0x3  }
0x2a: {  	[tilespmem:v50+s11+$0x0] =	vst.idx.msk $0xffff, v3  }
0x2b: {  	v51 =	vor.u32 $0x2, v2;
	v3 =	vld.idx.msk [tilespmem:v5+s9+$0x0], $0xffff  }
0x2c: {  	v52 =	vor.u32 $0x3, v1;
	_ =	sdelay $0x3  }
0x2d: {  	[tilespmem:v51+s11+$0x0] =	vst.idx.msk $0xffff, v3  }
0x2e: {  	v53 =	vor.u32 $0x3, v2;
	v3 =	vld.idx.msk [tilespmem:v52+s9+$0x0], $0xffff  }
0x2f: {  	v54 =	vor.u32 $0x4, v1;
	_ =	sdelay $0x3  }
0x30: {  	[tilespmem:v53+s11+$0x0] =	vst.idx.msk $0xffff, v3  }
0x31: {  	v55 =	vor.u32 $0x4, v2;
	v3 =	vld.idx.msk [tilespmem:v54+s9+$0x0], $0xffff  }
0x32: {  	v56 =	vor.u32 $0x5, v1;
	_ =	sdelay $0x3  }
0x33: {  	[tilespmem:v55+s11+$0x0] =	vst.idx.msk $0xffff, v3  }
0x34: {  	v57 =	vor.u32 $0x5, v2;
	v3 =	vld.idx.msk [tilespmem:v56+s9+$0x0], $0xffff  }
0x35: {  	v58 =	vor.u32 $0x6, v1;
	_ =	sdelay $0x3  }
0x36: {  	[tilespmem:v57+s11+$0x0] =	vst.idx.msk $0xffff, v3  }
0x37: {  	v59 =	vor.u32 $0x6, v2;
	v3 =	vld.idx.msk [tilespmem:v58+s9+$0x0], $0xffff  }
0x38: {  	v60 =	vor.u32 $0x7, v1;
	_ =	sdelay $0x3  }
0x39: {  	[tilespmem:v59+s11+$0x0] =	vst.idx.msk $0xffff, v3  }
0x3a: {  	v61 =	vor.u32 $0x7, v2;
	v3 =	vld.idx.msk [tilespmem:v60+s9+$0x0], $0xffff  }
0x3b: {  	v62 =	vor.u32 $0x8, v1;
	_ =	sdelay $0x3  }
0x3c: {  	[tilespmem:v61+s11+$0x0] =	vst.idx.msk $0xffff, v3  }
0x3d: {  	v63 =	vor.u32 $0x8, v2;
	v3 =	vld.idx.msk [tilespmem:v62+s9+$0x0], $0xffff  }
0x3e: {  	v8 =	vor.u32 $0x9, v1;
	_ =	sdelay $0x3  }
0x3f: {  	[tilespmem:v63+s11+$0x0] =	vst.idx.msk $0xffff, v3  }
0x40: {  	v9 =	vor.u32 $0x9, v2;
	v3 =	vld.idx.msk [tilespmem:v8+s9+$0x0], $0xffff  }
0x41: {  	v10 =	vor.u32 $0xA, v1;
	_ =	sdelay $0x3  }
0x42: {  	[tilespmem:v9+s11+$0x0] =	vst.idx.msk $0xffff, v3  }
0x43: {  	v11 =	vor.u32 $0xA, v2;
	v3 =	vld.idx.msk [tilespmem:v10+s9+$0x0], $0xffff  }
0x44: {  	v12 =	vor.u32 $0xB, v1;
	_ =	sdelay $0x3  }
0x45: {  	[tilespmem:v11+s11+$0x0] =	vst.idx.msk $0xffff, v3  }
0x46: {  	v13 =	vor.u32 $0xB, v2;
	v3 =	vld.idx.msk [tilespmem:v12+s9+$0x0], $0xffff  }
0x47: {  	v14 =	vor.u32 $0xC, v1;
	_ =	sdelay $0x3  }
0x48: {  	[tilespmem:v13+s11+$0x0] =	vst.idx.msk $0xffff, v3  }
0x49: {  	v15 =	vor.u32 $0xC, v2;
	v3 =	vld.idx.msk [tilespmem:v14+s9+$0x0], $0xffff  }
0x4a: {  	v16 =	vor.u32 $0xD, v1;
	_ =	sdelay $0x3  }
0x4b: {  	[tilespmem:v15+s11+$0x0] =	vst.idx.msk $0xffff, v3  }
0x4c: {  	v17 =	vor.u32 $0xD, v2;
	v3 =	vld.idx.msk [tilespmem:v16+s9+$0x0], $0xffff  }
0x4d: {  	v18 =	vor.u32 $0xE, v1;
	_ =	sdelay $0x3  }
0x4e: {  	[tilespmem:v17+s11+$0x0] =	vst.idx.msk $0xffff, v3  }
0x4f: {  	v19 =	vor.u32 $0xE, v2;
	v3 =	vld.idx.msk [tilespmem:v18+s9+$0x0], $0xffff  }
0x50: {  	v20 =	vor.u32 $0xF, v1;
	_ =	sdelay $0x3  }
0x51: {  	[tilespmem:v19+s11+$0x0] =	vst.idx.msk $0xffff, v3  }
0x52: {  	v21 =	vor.u32 $0xF, v2;
	v3 =	vld.idx.msk [tilespmem:v20+s9+$0x0], $0xffff  }
0x53: {  	v22 =	vor.u32 $0x10, v1;
	_ =	sdelay $0x3  }
0x54: {  	[tilespmem:v21+s11+$0x0] =	vst.idx.msk $0xffff, v3  }
0x55: {  	v23 =	vor.u32 $0x10, v2;
	v3 =	vld.idx.msk [tilespmem:v22+s9+$0x0], $0xffff  }
0x56: {  	v24 =	vor.u32 $0x11, v1;
	_ =	sdelay $0x3  }
0x57: {  	[tilespmem:v23+s11+$0x0] =	vst.idx.msk $0xffff, v3  }
0x58: {  	v25 =	vor.u32 $0x11, v2;
	v3 =	vld.idx.msk [tilespmem:v24+s9+$0x0], $0xffff  }
0x59: {  	v26 =	vor.u32 $0x12, v1;
	_ =	sdelay $0x3  }
0x5a: {  	[tilespmem:v25+s11+$0x0] =	vst.idx.msk $0xffff, v3  }
0x5b: {  	v27 =	vor.u32 $0x12, v2;
	v3 =	vld.idx.msk [tilespmem:v26+s9+$0x0], $0xffff  }
0x5c: {  	v28 =	vor.u32 $0x13, v1;
	_ =	sdelay $0x3  }
0x5d: {  	[tilespmem:v27+s11+$0x0] =	vst.idx.msk $0xffff, v3  }
0x5e: {  	v29 =	vor.u32 $0x13, v2;
	v3 =	vld.idx.msk [tilespmem:v28+s9+$0x0], $0xffff  }
0x5f: {  	v30 =	vor.u32 $0x14, v1;
	_ =	sdelay $0x3  }
0x60: {  	[tilespmem:v29+s11+$0x0] =	vst.idx.msk $0xffff, v3  }
0x61: {  	v31 =	vor.u32 $0x14, v2;
	v3 =	vld.idx.msk [tilespmem:v30+s9+$0x0], $0xffff  }
0x62: {  	v32 =	vor.u32 $0x15, v1;
	_ =	sdelay $0x3  }
0x63: {  	[tilespmem:v31+s11+$0x0] =	vst.idx.msk $0xffff, v3  }
0x64: {  	v33 =	vor.u32 $0x15, v2;
	v3 =	vld.idx.msk [tilespmem:v32+s9+$0x0], $0xffff  }
0x65: {  	v34 =	vor.u32 $0x16, v1;
	_ =	sdelay $0x3  }
0x66: {  	[tilespmem:v33+s11+$0x0] =	vst.idx.msk $0xffff, v3  }
0x67: {  	v35 =	vor.u32 $0x16, v2;
	v3 =	vld.idx.msk [tilespmem:v34+s9+$0x0], $0xffff  }
0x68: {  	v36 =	vor.u32 $0x17, v1;
	_ =	sdelay $0x3  }
0x69: {  	[tilespmem:v35+s11+$0x0] =	vst.idx.msk $0xffff, v3  }
0x6a: {  	v37 =	vor.u32 $0x17, v2;
	v3 =	vld.idx.msk [tilespmem:v36+s9+$0x0], $0xffff  }
0x6b: {  	v38 =	vor.u32 $0x18, v1;
	_ =	sdelay $0x3  }
0x6c: {  	[tilespmem:v37+s11+$0x0] =	vst.idx.msk $0xffff, v3  }
0x6d: {  	v39 =	vor.u32 $0x18, v2;
	v3 =	vld.idx.msk [tilespmem:v38+s9+$0x0], $0xffff  }
0x6e: {  	v40 =	vor.u32 $0x19, v1;
	_ =	sdelay $0x3  }
0x6f: {  	[tilespmem:v39+s11+$0x0] =	vst.idx.msk $0xffff, v3  }
0x70: {  	v41 =	vor.u32 $0x19, v2;
	v3 =	vld.idx.msk [tilespmem:v40+s9+$0x0], $0xffff  }
0x71: {  	v42 =	vor.u32 $0x1A, v1;
	_ =	sdelay $0x3  }
0x72: {  	[tilespmem:v41+s11+$0x0] =	vst.idx.msk $0xffff, v3  }
0x73: {  	v43 =	vor.u32 $0x1A, v2;
	v3 =	vld.idx.msk [tilespmem:v42+s9+$0x0], $0xffff  }
0x74: {  	v44 =	vor.u32 $0x1B, v1;
	_ =	sdelay $0x3  }
0x75: {  	[tilespmem:v43+s11+$0x0] =	vst.idx.msk $0xffff, v3  }
0x76: {  	v45 =	vor.u32 $0x1B, v2;
	v3 =	vld.idx.msk [tilespmem:v44+s9+$0x0], $0xffff  }
0x77: {  	v46 =	vor.u32 $0x1C, v1;
	_ =	sdelay $0x3  }
0x78: {  	[tilespmem:v45+s11+$0x0] =	vst.idx.msk $0xffff, v3  }
0x79: {  	v47 =	vor.u32 $0x1C, v2;
	v3 =	vld.idx.msk [tilespmem:v46+s9+$0x0], $0xffff  }
0x7a: {  	v48 =	vor.u32 $0x1D, v1;
	_ =	sdelay $0x3  }
0x7b: {  	[tilespmem:v47+s11+$0x0] =	vst.idx.msk $0xffff, v3  }
0x7c: {  	v49 =	vor.u32 $0x1D, v2;
	v3 =	vld.idx.msk [tilespmem:v48+s9+$0x0], $0xffff  }
0x7d: {  	v50 =	vor.u32 $0x1E, v1;
	_ =	sdelay $0x3  }
0x7e: {  	[tilespmem:v49+s11+$0x0] =	vst.idx.msk $0xffff, v3  }
0x7f: {  	v51 =	vor.u32 $0x1E, v2;
	v3 =	vld.idx.msk [tilespmem:v50+s9+$0x0], $0xffff  }
0x80: {  	v1 =	vor.u32 $0x1F, v1;
	_ =	sdelay $0x3  }
0x81: {  	[tilespmem:v51+s11+$0x0] =	vst.idx.msk $0xffff, v3  }
0x82: {  	v2 =	vor.u32 $0x1F, v2;
	v1 =	vld.idx.msk [tilespmem:v1+s9+$0x0], $0xffff;
	_ =	sdelay $0x4  }
0x83: {  	[tilespmem:v2+s11+$0x0] =	vst.idx.msk $0xffff, v1  }
0x84: {  	v1 =	vld [tilespmem:s15+$0xFFFFFFF0];
	_ =	sdelay $0x3  }
0x85: {  	s16 =	sadd.s32 $0x10, s14  }
0x86: {  	v2 =	vor.u32 s16, v0;
	v1 =	vshrl.u32 v1, $0x8  }
0x87: {  	v3 =	vshll.u32 v2, $0x7;
	v1 =	vand.u32 $0x60, v1  }
0x88: {  	v1 =	vor.u32 v3, v1;
	_ =	sdelay $0x4  }
0x89: {  	v2 =	vshll.u32 v2, $0x5;
	v3 =	vld.idx.msk [tilespmem:v1+s9+$0x0], $0xffff  }
0x8a: {  	v52 =	vor.u32 $0x1, v1;
	_ =	sdelay $0x3  }
0x8b: {  	[tilespmem:v2+s11+$0x0] =	vst.idx.msk $0xffff, v3  }
0x8c: {  	v53 =	vor.u32 $0x1, v2;
	v3 =	vld.idx.msk [tilespmem:v52+s9+$0x0], $0xffff  }
0x8d: {  	v54 =	vor.u32 $0x2, v1;
	_ =	sdelay $0x3  }
0x8e: {  	[tilespmem:v53+s11+$0x0] =	vst.idx.msk $0xffff, v3  }
0x8f: {  	v55 =	vor.u32 $0x2, v2;
	v3 =	vld.idx.msk [tilespmem:v54+s9+$0x0], $0xffff  }
0x90: {  	v56 =	vor.u32 $0x3, v1;
	_ =	sdelay $0x3  }
0x91: {  	[tilespmem:v55+s11+$0x0] =	vst.idx.msk $0xffff, v3  }
0x92: {  	v57 =	vor.u32 $0x3, v2;
	v3 =	vld.idx.msk [tilespmem:v56+s9+$0x0], $0xffff  }
0x93: {  	v58 =	vor.u32 $0x4, v1;
	_ =	sdelay $0x3  }
0x94: {  	[tilespmem:v57+s11+$0x0] =	vst.idx.msk $0xffff, v3  }
0x95: {  	v59 =	vor.u32 $0x4, v2;
	v3 =	vld.idx.msk [tilespmem:v58+s9+$0x0], $0xffff  }
0x96: {  	v60 =	vor.u32 $0x5, v1;
	_ =	sdelay $0x3  }
0x97: {  	[tilespmem:v59+s11+$0x0] =	vst.idx.msk $0xffff, v3  }
0x98: {  	v61 =	vor.u32 $0x5, v2;
	v3 =	vld.idx.msk [tilespmem:v60+s9+$0x0], $0xffff  }
0x99: {  	v62 =	vor.u32 $0x6, v1;
	_ =	sdelay $0x3  }
0x9a: {  	[tilespmem:v61+s11+$0x0] =	vst.idx.msk $0xffff, v3  }
0x9b: {  	v63 =	vor.u32 $0x6, v2;
	v3 =	vld.idx.msk [tilespmem:v62+s9+$0x0], $0xffff  }
0x9c: {  	v8 =	vor.u32 $0x7, v1;
	_ =	sdelay $0x3  }
0x9d: {  	[tilespmem:v63+s11+$0x0] =	vst.idx.msk $0xffff, v3  }
0x9e: {  	v9 =	vor.u32 $0x7, v2;
	v3 =	vld.idx.msk [tilespmem:v8+s9+$0x0], $0xffff  }
0x9f: {  	v10 =	vor.u32 $0x8, v1;
	_ =	sdelay $0x3  }
0xa0: {  	[tilespmem:v9+s11+$0x0] =	vst.idx.msk $0xffff, v3  }
0xa1: {  	v11 =	vor.u32 $0x8, v2;
	v3 =	vld.idx.msk [tilespmem:v10+s9+$0x0], $0xffff  }
0xa2: {  	v12 =	vor.u32 $0x9, v1;
	_ =	sdelay $0x3  }
0xa3: {  	[tilespmem:v11+s11+$0x0] =	vst.idx.msk $0xffff, v3  }
0xa4: {  	v13 =	vor.u32 $0x9, v2;
	v3 =	vld.idx.msk [tilespmem:v12+s9+$0x0], $0xffff  }
0xa5: {  	v14 =	vor.u32 $0xA, v1;
	_ =	sdelay $0x3  }
0xa6: {  	[tilespmem:v13+s11+$0x0] =	vst.idx.msk $0xffff, v3  }
0xa7: {  	v15 =	vor.u32 $0xA, v2;
	v3 =	vld.idx.msk [tilespmem:v14+s9+$0x0], $0xffff  }
0xa8: {  	v16 =	vor.u32 $0xB, v1;
	_ =	sdelay $0x3  }
0xa9: {  	[tilespmem:v15+s11+$0x0] =	vst.idx.msk $0xffff, v3  }
0xaa: {  	v17 =	vor.u32 $0xB, v2;
	v3 =	vld.idx.msk [tilespmem:v16+s9+$0x0], $0xffff  }
0xab: {  	v18 =	vor.u32 $0xC, v1;
	_ =	sdelay $0x3  }
0xac: {  	[tilespmem:v17+s11+$0x0] =	vst.idx.msk $0xffff, v3  }
0xad: {  	v19 =	vor.u32 $0xC, v2;
	v3 =	vld.idx.msk [tilespmem:v18+s9+$0x0], $0xffff  }
0xae: {  	v20 =	vor.u32 $0xD, v1;
	_ =	sdelay $0x3  }
0xaf: {  	[tilespmem:v19+s11+$0x0] =	vst.idx.msk $0xffff, v3  }
0xb0: {  	v21 =	vor.u32 $0xD, v2;
	v3 =	vld.idx.msk [tilespmem:v20+s9+$0x0], $0xffff  }
0xb1: {  	v22 =	vor.u32 $0xE, v1;
	_ =	sdelay $0x3  }
0xb2: {  	[tilespmem:v21+s11+$0x0] =	vst.idx.msk $0xffff, v3  }
0xb3: {  	v23 =	vor.u32 $0xE, v2;
	v3 =	vld.idx.msk [tilespmem:v22+s9+$0x0], $0xffff  }
0xb4: {  	v24 =	vor.u32 $0xF, v1;
	_ =	sdelay $0x3  }
0xb5: {  	[tilespmem:v23+s11+$0x0] =	vst.idx.msk $0xffff, v3  }
0xb6: {  	v25 =	vor.u32 $0xF, v2;
	v3 =	vld.idx.msk [tilespmem:v24+s9+$0x0], $0xffff  }
0xb7: {  	v26 =	vor.u32 $0x10, v1;
	_ =	sdelay $0x3  }
0xb8: {  	[tilespmem:v25+s11+$0x0] =	vst.idx.msk $0xffff, v3  }
0xb9: {  	v27 =	vor.u32 $0x10, v2;
	v3 =	vld.idx.msk [tilespmem:v26+s9+$0x0], $0xffff  }
0xba: {  	v28 =	vor.u32 $0x11, v1;
	_ =	sdelay $0x3  }
0xbb: {  	[tilespmem:v27+s11+$0x0] =	vst.idx.msk $0xffff, v3  }
0xbc: {  	v29 =	vor.u32 $0x11, v2;
	v3 =	vld.idx.msk [tilespmem:v28+s9+$0x0], $0xffff  }
0xbd: {  	v30 =	vor.u32 $0x12, v1;
	_ =	sdelay $0x3  }
0xbe: {  	[tilespmem:v29+s11+$0x0] =	vst.idx.msk $0xffff, v3  }
0xbf: {  	v31 =	vor.u32 $0x12, v2;
	v3 =	vld.idx.msk [tilespmem:v30+s9+$0x0], $0xffff  }
0xc0: {  	v32 =	vor.u32 $0x13, v1;
	_ =	sdelay $0x3  }
0xc1: {  	[tilespmem:v31+s11+$0x0] =	vst.idx.msk $0xffff, v3  }
0xc2: {  	v33 =	vor.u32 $0x13, v2;
	v3 =	vld.idx.msk [tilespmem:v32+s9+$0x0], $0xffff  }
0xc3: {  	v34 =	vor.u32 $0x14, v1;
	_ =	sdelay $0x3  }
0xc4: {  	[tilespmem:v33+s11+$0x0] =	vst.idx.msk $0xffff, v3  }
0xc5: {  	v35 =	vor.u32 $0x14, v2;
	v3 =	vld.idx.msk [tilespmem:v34+s9+$0x0], $0xffff  }
0xc6: {  	v36 =	vor.u32 $0x15, v1;
	_ =	sdelay $0x3  }
0xc7: {  	[tilespmem:v35+s11+$0x0] =	vst.idx.msk $0xffff, v3  }
0xc8: {  	v37 =	vor.u32 $0x15, v2;
	v3 =	vld.idx.msk [tilespmem:v36+s9+$0x0], $0xffff  }
0xc9: {  	v38 =	vor.u32 $0x16, v1;
	_ =	sdelay $0x3  }
0xca: {  	[tilespmem:v37+s11+$0x0] =	vst.idx.msk $0xffff, v3  }
0xcb: {  	v39 =	vor.u32 $0x16, v2;
	v3 =	vld.idx.msk [tilespmem:v38+s9+$0x0], $0xffff  }
0xcc: {  	v40 =	vor.u32 $0x17, v1;
	_ =	sdelay $0x3  }
0xcd: {  	[tilespmem:v39+s11+$0x0] =	vst.idx.msk $0xffff, v3  }
0xce: {  	v41 =	vor.u32 $0x17, v2;
	v3 =	vld.idx.msk [tilespmem:v40+s9+$0x0], $0xffff  }
0xcf: {  	v42 =	vor.u32 $0x18, v1;
	_ =	sdelay $0x3  }
0xd0: {  	[tilespmem:v41+s11+$0x0] =	vst.idx.msk $0xffff, v3  }
0xd1: {  	v43 =	vor.u32 $0x18, v2;
	v3 =	vld.idx.msk [tilespmem:v42+s9+$0x0], $0xffff  }
0xd2: {  	v44 =	vor.u32 $0x19, v1;
	_ =	sdelay $0x3  }
0xd3: {  	[tilespmem:v43+s11+$0x0] =	vst.idx.msk $0xffff, v3  }
0xd4: {  	v45 =	vor.u32 $0x19, v2;
	v3 =	vld.idx.msk [tilespmem:v44+s9+$0x0], $0xffff  }
0xd5: {  	v46 =	vor.u32 $0x1A, v1;
	_ =	sdelay $0x3  }
0xd6: {  	[tilespmem:v45+s11+$0x0] =	vst.idx.msk $0xffff, v3  }
0xd7: {  	v47 =	vor.u32 $0x1A, v2;
	v3 =	vld.idx.msk [tilespmem:v46+s9+$0x0], $0xffff  }
0xd8: {  	v48 =	vor.u32 $0x1B, v1;
	_ =	sdelay $0x3  }
0xd9: {  	[tilespmem:v47+s11+$0x0] =	vst.idx.msk $0xffff, v3  }
0xda: {  	v49 =	vor.u32 $0x1B, v2;
	v3 =	vld.idx.msk [tilespmem:v48+s9+$0x0], $0xffff  }
0xdb: {  	v50 =	vor.u32 $0x1C, v1;
	_ =	sdelay $0x3  }
0xdc: {  	[tilespmem:v49+s11+$0x0] =	vst.idx.msk $0xffff, v3  }
0xdd: {  	v51 =	vor.u32 $0x1C, v2;
	v3 =	vld.idx.msk [tilespmem:v50+s9+$0x0], $0xffff  }
0xde: {  	v52 =	vor.u32 $0x1D, v1;
	_ =	sdelay $0x3  }
0xdf: {  	[tilespmem:v51+s11+$0x0] =	vst.idx.msk $0xffff, v3  }
0xe0: {  	v53 =	vor.u32 $0x1D, v2;
	v3 =	vld.idx.msk [tilespmem:v52+s9+$0x0], $0xffff  }
0xe1: {  	v54 =	vor.u32 $0x1E, v1;
	_ =	sdelay $0x3  }
0xe2: {  	[tilespmem:v53+s11+$0x0] =	vst.idx.msk $0xffff, v3  }
0xe3: {  	v55 =	vor.u32 $0x1E, v2;
	v3 =	vld.idx.msk [tilespmem:v54+s9+$0x0], $0xffff  }
0xe4: {  	v1 =	vor.u32 $0x1F, v1;
	_ =	sdelay $0x3  }
0xe5: {  	[tilespmem:v55+s11+$0x0] =	vst.idx.msk $0xffff, v3  }
0xe6: {  	v2 =	vor.u32 $0x1F, v2;
	v1 =	vld.idx.msk [tilespmem:v1+s9+$0x0], $0xffff;
	_ =	sdelay $0x4  }
0xe7: {  	[tilespmem:v2+s11+$0x0] =	vst.idx.msk $0xffff, v1  }
0xe8: {  	v1 =	vld [tilespmem:s15+$0x0];
	_ =	sdelay $0x3  }
0xe9: {  	s30 =	sadd.s32 $0x20, s14  }
0xea: {  	v2 =	vor.u32 s30, v0;
	v1 =	vshrl.u32 v1, $0x8  }
0xeb: {  	v3 =	vshll.u32 v2, $0x7;
	v1 =	vand.u32 $0x60, v1  }
0xec: {  	v1 =	vor.u32 v3, v1;
	_ =	sdelay $0x4  }
0xed: {  	v2 =	vshll.u32 v2, $0x5;
	v3 =	vld.idx.msk [tilespmem:v1+s9+$0x0], $0xffff  }
0xee: {  	v56 =	vor.u32 $0x1, v1;
	_ =	sdelay $0x3  }
0xef: {  	[tilespmem:v2+s11+$0x0] =	vst.idx.msk $0xffff, v3  }
0xf0: {  	v57 =	vor.u32 $0x1, v2;
	v3 =	vld.idx.msk [tilespmem:v56+s9+$0x0], $0xffff  }
0xf1: {  	v58 =	vor.u32 $0x2, v1;
	_ =	sdelay $0x3  }
0xf2: {  	[tilespmem:v57+s11+$0x0] =	vst.idx.msk $0xffff, v3  }
0xf3: {  	v59 =	vor.u32 $0x2, v2;
	v3 =	vld.idx.msk [tilespmem:v58+s9+$0x0], $0xffff  }
0xf4: {  	v60 =	vor.u32 $0x3, v1;
	_ =	sdelay $0x3  }
0xf5: {  	[tilespmem:v59+s11+$0x0] =	vst.idx.msk $0xffff, v3  }
0xf6: {  	v61 =	vor.u32 $0x3, v2;
	v3 =	vld.idx.msk [tilespmem:v60+s9+$0x0], $0xffff  }
0xf7: {  	v62 =	vor.u32 $0x4, v1;
	_ =	sdelay $0x3  }
0xf8: {  	[tilespmem:v61+s11+$0x0] =	vst.idx.msk $0xffff, v3  }
0xf9: {  	v63 =	vor.u32 $0x4, v2;
	v3 =	vld.idx.msk [tilespmem:v62+s9+$0x0], $0xffff  }
0xfa: {  	v8 =	vor.u32 $0x5, v1;
	_ =	sdelay $0x3  }
0xfb: {  	[tilespmem:v63+s11+$0x0] =	vst.idx.msk $0xffff, v3  }
0xfc: {  	v9 =	vor.u32 $0x5, v2;
	v3 =	vld.idx.msk [tilespmem:v8+s9+$0x0], $0xffff  }
0xfd: {  	v10 =	vor.u32 $0x6, v1;
	_ =	sdelay $0x3  }
0xfe: {  	[tilespmem:v9+s11+$0x0] =	vst.idx.msk $0xffff, v3  }
0xff: {  	v11 =	vor.u32 $0x6, v2;
	v3 =	vld.idx.msk [tilespmem:v10+s9+$0x0], $0xffff  }
0x100: {  	v12 =	vor.u32 $0x7, v1;
	_ =	sdelay $0x3  }
0x101: {  	[tilespmem:v11+s11+$0x0] =	vst.idx.msk $0xffff, v3  }
0x102: {  	v13 =	vor.u32 $0x7, v2;
	v3 =	vld.idx.msk [tilespmem:v12+s9+$0x0], $0xffff  }
0x103: {  	v14 =	vor.u32 $0x8, v1;
	_ =	sdelay $0x3  }
0x104: {  	[tilespmem:v13+s11+$0x0] =	vst.idx.msk $0xffff, v3  }
0x105: {  	v15 =	vor.u32 $0x8, v2;
	v3 =	vld.idx.msk [tilespmem:v14+s9+$0x0], $0xffff  }
0x106: {  	v16 =	vor.u32 $0x9, v1;
	_ =	sdelay $0x3  }
0x107: {  	[tilespmem:v15+s11+$0x0] =	vst.idx.msk $0xffff, v3  }
0x108: {  	v17 =	vor.u32 $0x9, v2;
	v3 =	vld.idx.msk [tilespmem:v16+s9+$0x0], $0xffff  }
0x109: {  	v18 =	vor.u32 $0xA, v1;
	_ =	sdelay $0x3  }
0x10a: {  	[tilespmem:v17+s11+$0x0] =	vst.idx.msk $0xffff, v3  }
0x10b: {  	v19 =	vor.u32 $0xA, v2;
	v3 =	vld.idx.msk [tilespmem:v18+s9+$0x0], $0xffff  }
0x10c: {  	v20 =	vor.u32 $0xB, v1;
	_ =	sdelay $0x3  }
0x10d: {  	[tilespmem:v19+s11+$0x0] =	vst.idx.msk $0xffff, v3  }
0x10e: {  	v21 =	vor.u32 $0xB, v2;
	v3 =	vld.idx.msk [tilespmem:v20+s9+$0x0], $0xffff  }
0x10f: {  	v22 =	vor.u32 $0xC, v1;
	_ =	sdelay $0x3  }
0x110: {  	[tilespmem:v21+s11+$0x0] =	vst.idx.msk $0xffff, v3  }
0x111: {  	v23 =	vor.u32 $0xC, v2;
	v3 =	vld.idx.msk [tilespmem:v22+s9+$0x0], $0xffff  }
0x112: {  	v24 =	vor.u32 $0xD, v1;
	_ =	sdelay $0x3  }
0x113: {  	[tilespmem:v23+s11+$0x0] =	vst.idx.msk $0xffff, v3  }
0x114: {  	v25 =	vor.u32 $0xD, v2;
	v3 =	vld.idx.msk [tilespmem:v24+s9+$0x0], $0xffff  }
0x115: {  	v26 =	vor.u32 $0xE, v1;
	_ =	sdelay $0x3  }
0x116: {  	[tilespmem:v25+s11+$0x0] =	vst.idx.msk $0xffff, v3  }
0x117: {  	v27 =	vor.u32 $0xE, v2;
	v3 =	vld.idx.msk [tilespmem:v26+s9+$0x0], $0xffff  }
0x118: {  	v28 =	vor.u32 $0xF, v1;
	_ =	sdelay $0x3  }
0x119: {  	[tilespmem:v27+s11+$0x0] =	vst.idx.msk $0xffff, v3  }
0x11a: {  	v29 =	vor.u32 $0xF, v2;
	v3 =	vld.idx.msk [tilespmem:v28+s9+$0x0], $0xffff  }
0x11b: {  	v30 =	vor.u32 $0x10, v1;
	_ =	sdelay $0x3  }
0x11c: {  	[tilespmem:v29+s11+$0x0] =	vst.idx.msk $0xffff, v3  }
0x11d: {  	v31 =	vor.u32 $0x10, v2;
	v3 =	vld.idx.msk [tilespmem:v30+s9+$0x0], $0xffff  }
0x11e: {  	v32 =	vor.u32 $0x11, v1;
	_ =	sdelay $0x3  }
0x11f: {  	[tilespmem:v31+s11+$0x0] =	vst.idx.msk $0xffff, v3  }
0x120: {  	v33 =	vor.u32 $0x11, v2;
	v3 =	vld.idx.msk [tilespmem:v32+s9+$0x0], $0xffff  }
0x121: {  	v34 =	vor.u32 $0x12, v1;
	_ =	sdelay $0x3  }
0x122: {  	[tilespmem:v33+s11+$0x0] =	vst.idx.msk $0xffff, v3  }
0x123: {  	v35 =	vor.u32 $0x12, v2;
	v3 =	vld.idx.msk [tilespmem:v34+s9+$0x0], $0xffff  }
0x124: {  	v36 =	vor.u32 $0x13, v1;
	_ =	sdelay $0x3  }
0x125: {  	[tilespmem:v35+s11+$0x0] =	vst.idx.msk $0xffff, v3  }
0x126: {  	v37 =	vor.u32 $0x13, v2;
	v3 =	vld.idx.msk [tilespmem:v36+s9+$0x0], $0xffff  }
0x127: {  	v38 =	vor.u32 $0x14, v1;
	_ =	sdelay $0x3  }
0x128: {  	[tilespmem:v37+s11+$0x0] =	vst.idx.msk $0xffff, v3  }
0x129: {  	v39 =	vor.u32 $0x14, v2;
	v3 =	vld.idx.msk [tilespmem:v38+s9+$0x0], $0xffff  }
0x12a: {  	v40 =	vor.u32 $0x15, v1;
	_ =	sdelay $0x3  }
0x12b: {  	[tilespmem:v39+s11+$0x0] =	vst.idx.msk $0xffff, v3  }
0x12c: {  	v41 =	vor.u32 $0x15, v2;
	v3 =	vld.idx.msk [tilespmem:v40+s9+$0x0], $0xffff  }
0x12d: {  	v42 =	vor.u32 $0x16, v1;
	_ =	sdelay $0x3  }
0x12e: {  	[tilespmem:v41+s11+$0x0] =	vst.idx.msk $0xffff, v3  }
0x12f: {  	v43 =	vor.u32 $0x16, v2;
	v3 =	vld.idx.msk [tilespmem:v42+s9+$0x0], $0xffff  }
0x130: {  	v44 =	vor.u32 $0x17, v1;
	_ =	sdelay $0x3  }
0x131: {  	[tilespmem:v43+s11+$0x0] =	vst.idx.msk $0xffff, v3  }
0x132: {  	v45 =	vor.u32 $0x17, v2;
	v3 =	vld.idx.msk [tilespmem:v44+s9+$0x0], $0xffff  }
0x133: {  	v46 =	vor.u32 $0x18, v1;
	_ =	sdelay $0x3  }
0x134: {  	[tilespmem:v45+s11+$0x0] =	vst.idx.msk $0xffff, v3  }
0x135: {  	v47 =	vor.u32 $0x18, v2;
	v3 =	vld.idx.msk [tilespmem:v46+s9+$0x0], $0xffff  }
0x136: {  	v48 =	vor.u32 $0x19, v1;
	_ =	sdelay $0x3  }
0x137: {  	[tilespmem:v47+s11+$0x0] =	vst.idx.msk $0xffff, v3  }
0x138: {  	v49 =	vor.u32 $0x19, v2;
	v3 =	vld.idx.msk [tilespmem:v48+s9+$0x0], $0xffff  }
0x139: {  	v50 =	vor.u32 $0x1A, v1;
	_ =	sdelay $0x3  }
0x13a: {  	[tilespmem:v49+s11+$0x0] =	vst.idx.msk $0xffff, v3  }
0x13b: {  	v51 =	vor.u32 $0x1A, v2;
	v3 =	vld.idx.msk [tilespmem:v50+s9+$0x0], $0xffff  }
0x13c: {  	v52 =	vor.u32 $0x1B, v1;
	_ =	sdelay $0x3  }
0x13d: {  	[tilespmem:v51+s11+$0x0] =	vst.idx.msk $0xffff, v3  }
0x13e: {  	v53 =	vor.u32 $0x1B, v2;
	v3 =	vld.idx.msk [tilespmem:v52+s9+$0x0], $0xffff  }
0x13f: {  	v54 =	vor.u32 $0x1C, v1;
	_ =	sdelay $0x3  }
0x140: {  	[tilespmem:v53+s11+$0x0] =	vst.idx.msk $0xffff, v3  }
0x141: {  	v55 =	vor.u32 $0x1C, v2;
	v3 =	vld.idx.msk [tilespmem:v54+s9+$0x0], $0xffff  }
0x142: {  	v56 =	vor.u32 $0x1D, v1;
	_ =	sdelay $0x3  }
0x143: {  	[tilespmem:v55+s11+$0x0] =	vst.idx.msk $0xffff, v3  }
0x144: {  	v57 =	vor.u32 $0x1D, v2;
	v3 =	vld.idx.msk [tilespmem:v56+s9+$0x0], $0xffff  }
0x145: {  	v58 =	vor.u32 $0x1E, v1;
	_ =	sdelay $0x3  }
0x146: {  	[tilespmem:v57+s11+$0x0] =	vst.idx.msk $0xffff, v3  }
0x147: {  	v59 =	vor.u32 $0x1E, v2;
	v3 =	vld.idx.msk [tilespmem:v58+s9+$0x0], $0xffff  }
0x148: {  	v1 =	vor.u32 $0x1F, v1;
	_ =	sdelay $0x3  }
0x149: {  	[tilespmem:v59+s11+$0x0] =	vst.idx.msk $0xffff, v3  }
0x14a: {  	v2 =	vor.u32 $0x1F, v2;
	v1 =	vld.idx.msk [tilespmem:v1+s9+$0x0], $0xffff;
	_ =	sdelay $0x4  }
0x14b: {  	[tilespmem:v2+s11+$0x0] =	vst.idx.msk $0xffff, v1  }
0x14c: {  	v1 =	vld [tilespmem:s15+$0x10];
	_ =	sdelay $0x3  }
0x14d: {  	s31 =	sadd.s32 $0x30, s14  }
0x14e: {  	v2 =	vor.u32 s31, v0;
	v1 =	vshrl.u32 v1, $0x8  }
0x14f: {  	v3 =	vshll.u32 v2, $0x7;
	v1 =	vand.u32 $0x60, v1  }
0x150: {  	v1 =	vor.u32 v3, v1;
	_ =	sdelay $0x4  }
0x151: {  	v2 =	vshll.u32 v2, $0x5;
	v3 =	vld.idx.msk [tilespmem:v1+s9+$0x0], $0xffff  }
0x152: {  	v60 =	vor.u32 $0x1, v1;
	_ =	sdelay $0x3  }
0x153: {  	[tilespmem:v2+s11+$0x0] =	vst.idx.msk $0xffff, v3  }
0x154: {  	v61 =	vor.u32 $0x1, v2;
	v3 =	vld.idx.msk [tilespmem:v60+s9+$0x0], $0xffff  }
0x155: {  	v62 =	vor.u32 $0x2, v1;
	_ =	sdelay $0x3  }
0x156: {  	[tilespmem:v61+s11+$0x0] =	vst.idx.msk $0xffff, v3  }
0x157: {  	v63 =	vor.u32 $0x2, v2;
	v3 =	vld.idx.msk [tilespmem:v62+s9+$0x0], $0xffff  }
0x158: {  	v8 =	vor.u32 $0x3, v1;
	_ =	sdelay $0x3  }
0x159: {  	[tilespmem:v63+s11+$0x0] =	vst.idx.msk $0xffff, v3  }
0x15a: {  	v9 =	vor.u32 $0x3, v2;
	v3 =	vld.idx.msk [tilespmem:v8+s9+$0x0], $0xffff  }
0x15b: {  	v10 =	vor.u32 $0x4, v1;
	_ =	sdelay $0x3  }
0x15c: {  	[tilespmem:v9+s11+$0x0] =	vst.idx.msk $0xffff, v3  }
0x15d: {  	v11 =	vor.u32 $0x4, v2;
	v3 =	vld.idx.msk [tilespmem:v10+s9+$0x0], $0xffff  }
0x15e: {  	v12 =	vor.u32 $0x5, v1;
	_ =	sdelay $0x3  }
0x15f: {  	[tilespmem:v11+s11+$0x0] =	vst.idx.msk $0xffff, v3  }
0x160: {  	v13 =	vor.u32 $0x5, v2;
	v3 =	vld.idx.msk [tilespmem:v12+s9+$0x0], $0xffff  }
0x161: {  	v14 =	vor.u32 $0x6, v1;
	_ =	sdelay $0x3  }
0x162: {  	[tilespmem:v13+s11+$0x0] =	vst.idx.msk $0xffff, v3  }
0x163: {  	v15 =	vor.u32 $0x6, v2;
	v3 =	vld.idx.msk [tilespmem:v14+s9+$0x0], $0xffff  }
0x164: {  	v16 =	vor.u32 $0x7, v1;
	_ =	sdelay $0x3  }
0x165: {  	[tilespmem:v15+s11+$0x0] =	vst.idx.msk $0xffff, v3  }
0x166: {  	v17 =	vor.u32 $0x7, v2;
	v3 =	vld.idx.msk [tilespmem:v16+s9+$0x0], $0xffff  }
0x167: {  	v18 =	vor.u32 $0x8, v1;
	_ =	sdelay $0x3  }
0x168: {  	[tilespmem:v17+s11+$0x0] =	vst.idx.msk $0xffff, v3  }
0x169: {  	v19 =	vor.u32 $0x8, v2;
	v3 =	vld.idx.msk [tilespmem:v18+s9+$0x0], $0xffff  }
0x16a: {  	v20 =	vor.u32 $0x9, v1;
	_ =	sdelay $0x3  }
0x16b: {  	[tilespmem:v19+s11+$0x0] =	vst.idx.msk $0xffff, v3  }
0x16c: {  	v21 =	vor.u32 $0x9, v2;
	v3 =	vld.idx.msk [tilespmem:v20+s9+$0x0], $0xffff  }
0x16d: {  	v22 =	vor.u32 $0xA, v1;
	_ =	sdelay $0x3  }
0x16e: {  	[tilespmem:v21+s11+$0x0] =	vst.idx.msk $0xffff, v3  }
0x16f: {  	v23 =	vor.u32 $0xA, v2;
	v3 =	vld.idx.msk [tilespmem:v22+s9+$0x0], $0xffff  }
0x170: {  	v24 =	vor.u32 $0xB, v1;
	_ =	sdelay $0x3  }
0x171: {  	[tilespmem:v23+s11+$0x0] =	vst.idx.msk $0xffff, v3  }
0x172: {  	v25 =	vor.u32 $0xB, v2;
	v3 =	vld.idx.msk [tilespmem:v24+s9+$0x0], $0xffff  }
0x173: {  	v26 =	vor.u32 $0xC, v1;
	_ =	sdelay $0x3  }
0x174: {  	[tilespmem:v25+s11+$0x0] =	vst.idx.msk $0xffff, v3  }
0x175: {  	v27 =	vor.u32 $0xC, v2;
	v3 =	vld.idx.msk [tilespmem:v26+s9+$0x0], $0xffff  }
0x176: {  	v28 =	vor.u32 $0xD, v1;
	_ =	sdelay $0x3  }
0x177: {  	[tilespmem:v27+s11+$0x0] =	vst.idx.msk $0xffff, v3  }
0x178: {  	v29 =	vor.u32 $0xD, v2;
	v3 =	vld.idx.msk [tilespmem:v28+s9+$0x0], $0xffff  }
0x179: {  	v30 =	vor.u32 $0xE, v1;
	_ =	sdelay $0x3  }
0x17a: {  	[tilespmem:v29+s11+$0x0] =	vst.idx.msk $0xffff, v3  }
0x17b: {  	v31 =	vor.u32 $0xE, v2;
	v3 =	vld.idx.msk [tilespmem:v30+s9+$0x0], $0xffff  }
0x17c: {  	v32 =	vor.u32 $0xF, v1;
	_ =	sdelay $0x3  }
0x17d: {  	[tilespmem:v31+s11+$0x0] =	vst.idx.msk $0xffff, v3  }
0x17e: {  	v33 =	vor.u32 $0xF, v2;
	v3 =	vld.idx.msk [tilespmem:v32+s9+$0x0], $0xffff  }
0x17f: {  	v34 =	vor.u32 $0x10, v1;
	_ =	sdelay $0x3  }
0x180: {  	[tilespmem:v33+s11+$0x0] =	vst.idx.msk $0xffff, v3  }
0x181: {  	v35 =	vor.u32 $0x10, v2;
	v3 =	vld.idx.msk [tilespmem:v34+s9+$0x0], $0xffff  }
0x182: {  	v36 =	vor.u32 $0x11, v1;
	_ =	sdelay $0x3  }
0x183: {  	[tilespmem:v35+s11+$0x0] =	vst.idx.msk $0xffff, v3  }
0x184: {  	v37 =	vor.u32 $0x11, v2;
	v3 =	vld.idx.msk [tilespmem:v36+s9+$0x0], $0xffff  }
0x185: {  	v38 =	vor.u32 $0x12, v1;
	_ =	sdelay $0x3  }
0x186: {  	[tilespmem:v37+s11+$0x0] =	vst.idx.msk $0xffff, v3  }
0x187: {  	v39 =	vor.u32 $0x12, v2;
	v3 =	vld.idx.msk [tilespmem:v38+s9+$0x0], $0xffff  }
0x188: {  	v40 =	vor.u32 $0x13, v1;
	_ =	sdelay $0x3  }
0x189: {  	[tilespmem:v39+s11+$0x0] =	vst.idx.msk $0xffff, v3  }
0x18a: {  	v41 =	vor.u32 $0x13, v2;
	v3 =	vld.idx.msk [tilespmem:v40+s9+$0x0], $0xffff  }
0x18b: {  	v42 =	vor.u32 $0x14, v1;
	_ =	sdelay $0x3  }
0x18c: {  	[tilespmem:v41+s11+$0x0] =	vst.idx.msk $0xffff, v3  }
0x18d: {  	v43 =	vor.u32 $0x14, v2;
	v3 =	vld.idx.msk [tilespmem:v42+s9+$0x0], $0xffff  }
0x18e: {  	v44 =	vor.u32 $0x15, v1;
	_ =	sdelay $0x3  }
0x18f: {  	[tilespmem:v43+s11+$0x0] =	vst.idx.msk $0xffff, v3  }
0x190: {  	v45 =	vor.u32 $0x15, v2;
	v3 =	vld.idx.msk [tilespmem:v44+s9+$0x0], $0xffff  }
0x191: {  	v46 =	vor.u32 $0x16, v1;
	_ =	sdelay $0x3  }
0x192: {  	[tilespmem:v45+s11+$0x0] =	vst.idx.msk $0xffff, v3  }
0x193: {  	v47 =	vor.u32 $0x16, v2;
	v3 =	vld.idx.msk [tilespmem:v46+s9+$0x0], $0xffff  }
0x194: {  	v48 =	vor.u32 $0x17, v1;
	_ =	sdelay $0x3  }
0x195: {  	[tilespmem:v47+s11+$0x0] =	vst.idx.msk $0xffff, v3  }
0x196: {  	v49 =	vor.u32 $0x17, v2;
	v3 =	vld.idx.msk [tilespmem:v48+s9+$0x0], $0xffff  }
0x197: {  	v50 =	vor.u32 $0x18, v1;
	_ =	sdelay $0x3  }
0x198: {  	[tilespmem:v49+s11+$0x0] =	vst.idx.msk $0xffff, v3  }
0x199: {  	v51 =	vor.u32 $0x18, v2;
	v3 =	vld.idx.msk [tilespmem:v50+s9+$0x0], $0xffff  }
0x19a: {  	v52 =	vor.u32 $0x19, v1;
	_ =	sdelay $0x3  }
0x19b: {  	[tilespmem:v51+s11+$0x0] =	vst.idx.msk $0xffff, v3  }
0x19c: {  	v53 =	vor.u32 $0x19, v2;
	v3 =	vld.idx.msk [tilespmem:v52+s9+$0x0], $0xffff  }
0x19d: {  	v54 =	vor.u32 $0x1A, v1;
	_ =	sdelay $0x3  }
0x19e: {  	[tilespmem:v53+s11+$0x0] =	vst.idx.msk $0xffff, v3  }
0x19f: {  	v55 =	vor.u32 $0x1A, v2;
	v3 =	vld.idx.msk [tilespmem:v54+s9+$0x0], $0xffff  }
0x1a0: {  	v56 =	vor.u32 $0x1B, v1;
	_ =	sdelay $0x3  }
0x1a1: {  	[tilespmem:v55+s11+$0x0] =	vst.idx.msk $0xffff, v3  }
0x1a2: {  	v57 =	vor.u32 $0x1B, v2;
	v3 =	vld.idx.msk [tilespmem:v56+s9+$0x0], $0xffff  }
0x1a3: {  	v58 =	vor.u32 $0x1C, v1;
	_ =	sdelay $0x3  }
0x1a4: {  	[tilespmem:v57+s11+$0x0] =	vst.idx.msk $0xffff, v3  }
0x1a5: {  	v59 =	vor.u32 $0x1C, v2;
	v3 =	vld.idx.msk [tilespmem:v58+s9+$0x0], $0xffff  }
0x1a6: {  	v60 =	vor.u32 $0x1D, v1;
	_ =	sdelay $0x3  }
0x1a7: {  	[tilespmem:v59+s11+$0x0] =	vst.idx.msk $0xffff, v3  }
0x1a8: {  	v61 =	vor.u32 $0x1D, v2;
	v3 =	vld.idx.msk [tilespmem:v60+s9+$0x0], $0xffff  }
0x1a9: {  	v62 =	vor.u32 $0x1E, v1;
	_ =	sdelay $0x3  }
0x1aa: {  	[tilespmem:v61+s11+$0x0] =	vst.idx.msk $0xffff, v3  }
0x1ab: {  	v63 =	vor.u32 $0x1E, v2;
	v3 =	vld.idx.msk [tilespmem:v62+s9+$0x0], $0xffff  }
0x1ac: {  	v1 =	vor.u32 $0x1F, v1;
	_ =	sdelay $0x3  }
0x1ad: {  	s13 =	sadd.s32 $0x4, s13;
	[tilespmem:v63+s11+$0x0] =	vst.idx.msk $0xffff, v3  }
0x1ae: {  	p0 =	slt.u32 s13, $0x1C;
	v2 =	vor.u32 $0x1F, v2;
	v1 =	vld.idx.msk [tilespmem:v1+s9+$0x0], $0xffff  }
.Ltmp1:
0x1af: {  	_ = 	snop;
	(pc) =	sbr.rel @p0 .LBB2_4-.Ltmp1, $2  }
0x1b0: {  	_ =	sdelay $0x2  }
0x1b1: {  	s14 =	sadd.s32 $0x40, s14;
	s15 =	sadd.s32 $0x40, s15;
	[tilespmem:v2+s11+$0x0] =	vst.idx.msk $0xffff, v1  }
0x1b2: {  	s12 =	sadd.s32 $0x1, s12  }
0x1b3: {  	p0 =	sne.s32 s12, s6  }
.Ltmp2:
0x1b4: {  	_ = 	snop;
	(pc) =	sbr.rel @p0 .LBB2_1-.Ltmp2, $4  }
0x1b5: {  	[hbm4b:s5+s2] =	stream.linear.scatter [tilespmem:s11], [sflag:$0x2], $0x4000, $0x38;
	[tilespmem:$0x14400] =	vst v63  }
0x1b6: {  	_ =	swait.ge [sflag:s7], $0x4000  }
0x1b7: {  	[sflag:s7] =	ssyncset.done $0x0  }
0x1b8: {  	[sflag:s7] =	ssyncadd.s32 $0xFFFFC000  }
0x1b9: {  	_ =	sfence.sel $0x180000  }
0x1ba: {  	[bflag:$0x0] =	sbarrier.arrive $0xFFFF  }
0x1bb: {  	p0 =	sne.s32 s1, $0x0;
	_ =	strace $0x90000047  }
0x1bc: {  	s0 =	sadd.s32 @!p0 $0x100000, s0;
	[bflag:$0x2] =	sbarrier.arrive $0xFFFF  }
0x1bd: {  	[sflag:s0] =	ssyncadd.tile.s32 @!p0 $0x1;
	_ =	shalt  }
.Lfunc_end2:
_tile_overlayer_lowered:
.L_overlay_start_2:
0x1be: {  	(tag) =	ssettag $0x2  }
0x1bf: {  	s0 =	rddreg [dreg:$0x0];
	s2 =	stileid.u32  }
0x1c0: {  	s1 =	rddreg [dreg:$0x1];
	p0 =	sne.s32 s2, $0x0  }
0x1c1: {  	s3 =	rddreg [dreg:$0x2];
	[bflag:$0x3] =	sbarrier.arrive $0xFFFF;
	s2 =	simm.s32 @!p0 $0x1C02  }
0x1c2: {  	[timem:s3], [sflag:s2] =	dma.local @!p0 [hbm:s0], s1  }
0x1c3: {  	s0 =	simm.s32 @!p0 $0x2  }
0x1c4: {  	_ =	swait.ge @!p0 [sflag:s0], s1  }
0x1c5: {  	s1 =	ssub.s32 @!p0 $0x0, s1;
	[sflag:s0] =	ssyncset.done @!p0 $0x0  }
0x1c6: {  	[sflag:s0] =	ssyncadd.s32 @!p0 s1  }
0x1c7: {  	[bflag:$0x3] =	sbarrier.arrive $0xFFFF  }
0x1c8: {  	_ =	shalt  }

</sc_bundles>
